<compile_context>
chip_gen: v7x
topology: tpu7x:2x2x1
jax: 0.10.2.dev20260603
libtpu: 0.0.44.dev20260713+nightly
codegen_flags: <defaults>
</compile_context>

<pallas_src>
import functools

import jax
import jax.numpy as jnp
from jax import lax
from jax.experimental import pallas as pl
from jax.experimental.pallas import tpu as pltpu
from jax.experimental.pallas import tpu_sc as plsc

EMB = 128
NC = 2
NS = 16
NW = NC * NS
NBUF = 5
AHEAD = 2


@functools.lru_cache(maxsize=None)
def _make_gather(N, S):
    n_per_w = N // NW
    nchunk = S
    ngroup = nchunk // NBUF
    assert nchunk % NBUF == 0 and ngroup >= 3
    mesh = plsc.VectorSubcoreMesh(core_axis_name="c", subcore_axis_name="s")

    @functools.partial(
        pl.kernel,
        mesh=mesh,
        out_type=jax.ShapeDtypeStruct((S, N, EMB), jnp.float32),
        scratch_types=[
            pltpu.VMEM((S, n_per_w), jnp.int32),
            pltpu.VMEM((NBUF, n_per_w, EMB), jnp.float32),
        ]
        + [pltpu.SemaphoreType.DMA] * (2 * NBUF),
    )
    def gather_kernel(idx_hbm, table_hbm, out_hbm, idx_v, rows_v, *sems):
        gsems, ssems = sems[:NBUF], sems[NBUF:]
        wid = lax.axis_index("s") * NC + lax.axis_index("c")
        base = wid * n_per_w
        pltpu.sync_copy(idx_hbm.at[pl.ds(0, S), pl.ds(base, n_per_w)], idx_v)

        half = n_per_w // 2

        def issue_gather(i, j):
            pltpu.async_copy(
                table_hbm.at[idx_v.at[i].at[pl.ds(0, half)]],
                rows_v.at[j].at[pl.ds(0, half)],
                gsems[j],
            )
            pltpu.async_copy(
                table_hbm.at[idx_v.at[i].at[pl.ds(half, half)]],
                rows_v.at[j].at[pl.ds(half, half)],
                gsems[j],
            )

        def wait_gather(j):
            pltpu.make_async_copy(
                table_hbm.at[idx_v.at[0]], rows_v.at[j], gsems[j]
            ).wait()

        def issue_store(i, j):
            pltpu.async_copy(
                rows_v.at[j], out_hbm.at[i, pl.ds(base, n_per_w)], ssems[j]
            )

        def wait_store(i, j):
            pltpu.make_async_copy(
                rows_v.at[j], out_hbm.at[i, pl.ds(base, n_per_w)], ssems[j]
            ).wait()

        def step(i, b, do_wait, do_issue):
            s = (b + AHEAD) % NBUF
            if do_wait:
                wait_store(i + AHEAD - NBUF, s)
            if do_issue:
                issue_gather(i + AHEAD, s)
            wait_gather(b)
            issue_store(i, b)

        for j in range(AHEAD):
            issue_gather(j, j)

        for b in range(NBUF):
            step(b, b, do_wait=b + AHEAD >= NBUF, do_issue=True)

        def group_body(g, carry):
            for b in range(NBUF):
                step(g * NBUF + b, b, do_wait=True, do_issue=True)
            return carry

        lax.fori_loop(1, ngroup - 1, group_body, 0)

        for b in range(NBUF):
            i = (ngroup - 1) * NBUF + b
            step(i, b, do_wait=True, do_issue=i + AHEAD < nchunk)
        for i in range(nchunk - NBUF + AHEAD, nchunk):
            wait_store(i, i % NBUF)

    return gather_kernel


def kernel(input_tensor, table):
    n, s = input_tensor.shape
    out = _make_gather(n, s)(input_tensor.T, table)
    return out.transpose(1, 0, 2)

# --- scband reference (transcript-rebuilt; emitter-appended) ---
"""Pipeline reference for scband-word-embedding-67740224192806 (READ-ONLY COPY).

The authoritative reference and input builder live on the scoring server;
editing this copy changes nothing except your own understanding.
"""

import jax, jax.numpy as jnp
import numpy as np

VOCAB = 100000
EMB = 128
PAD_IDX = 0


def setup_inputs(seed: int = 0) -> dict:
    key = jax.random.key(seed)
    k1, k2 = jax.random.split(key)
    input_tensor = jax.random.randint(k1, (4096, 50), 0, VOCAB, dtype=jnp.int32)
    table = jax.random.normal(k2, (VOCAB, EMB), dtype=jnp.float32)
    # nn.Embedding with padding_idx zero-initializes that row
    table = table.at[PAD_IDX].set(0.0)
    return {"input_tensor": input_tensor, "table": table}


def reference(input_tensor, table):
    # Faithful to nn.Embedding forward: row gather from the embedding table
    emb = jnp.take(table, input_tensor, axis=0)
    return emb

if __name__ == "__main__":
    import jax
    _d = setup_inputs()
    print(jax.jit(kernel)(*tuple(_d.values())))

</pallas_src>

<mosaic_0001>
#map = affine_map<(d0, d1) -> (0, 0)>
#map1 = affine_map<(d0, d1) -> (0, 0, 0)>
module attributes {stable_mosaic.version = 14 : i64} {
  func.func @gather_kernel(%arg0: i32, %arg1: i32, %arg2: memref<50x4096xi32, #tpu.memory_space<hbm>>, %arg3: memref<100000x128xf32, #tpu.memory_space<hbm>>, %arg4: memref<50x4096x128xf32, #tpu.memory_space<hbm>>, %arg5: memref<50x128xi32, #tpu.memory_space<vmem>>, %arg6: memref<5x128x128xf32, #tpu.memory_space<vmem>>, %arg7: memref<!tpu.dma_semaphore, #tpu.memory_space<semaphore_mem>>, %arg8: memref<!tpu.dma_semaphore, #tpu.memory_space<semaphore_mem>>, %arg9: memref<!tpu.dma_semaphore, #tpu.memory_space<semaphore_mem>>, %arg10: memref<!tpu.dma_semaphore, #tpu.memory_space<semaphore_mem>>, %arg11: memref<!tpu.dma_semaphore, #tpu.memory_space<semaphore_mem>>, %arg12: memref<!tpu.dma_semaphore, #tpu.memory_space<semaphore_mem>>, %arg13: memref<!tpu.dma_semaphore, #tpu.memory_space<semaphore_mem>>, %arg14: memref<!tpu.dma_semaphore, #tpu.memory_space<semaphore_mem>>, %arg15: memref<!tpu.dma_semaphore, #tpu.memory_space<semaphore_mem>>, %arg16: memref<!tpu.dma_semaphore, #tpu.memory_space<semaphore_mem>>) attributes {dimension_semantics = [#tpu.dimension_semantics<core_parallel>, #tpu.dimension_semantics<subcore_parallel>], iteration_bounds = array<i64: 2, 16>, scalar_prefetch = 0 : i64, scratch_operands = 12 : i64, tpu.core_type = #tpu.core_type<sc_vector_subcore>, window_params = [{transform_indices = #map}, {transform_indices = #map}, {transform_indices = #map1}]} {
    %mul3A = arith.constant 2 : i32
    %mul3A_0 = arith.muli %arg1, %mul3A : i32
    %add3A = arith.addi %mul3A_0, %arg0 : i32
    %mul3A_1 = arith.constant 128 : i32
    %mul3A_2 = arith.muli %add3A, %mul3A_1 : i32
    "tpu.region"() ({
      %run_scoped3A = tpu.sem_alloc : memref<!tpu.dma_semaphore, #tpu.memory_space<semaphore_mem>>
      %dma_start3A_786 = arith.constant 0 : i32
      %dma_start3A_787 = tpu.memref_slice %arg2[%dma_start3A_786, %mul3A_2] : memref<50x4096xi32, #tpu.memory_space<hbm>> -> memref<50x128xi32, #tpu.memory_space<hbm>>
      %dma_start3A_788 = arith.constant 0 : i32
      %dma_start3A_789 = tpu.memref_slice %arg2[%dma_start3A_788, %mul3A_2] : memref<50x4096xi32, #tpu.memory_space<hbm>> -> memref<50x128xi32, #tpu.memory_space<hbm>>
      tpu.enqueue_dma source(%dma_start3A_789 : memref<50x128xi32, #tpu.memory_space<hbm>>) target(%arg5 : memref<50x128xi32, #tpu.memory_space<vmem>>) target_semaphore(%run_scoped3A : memref<!tpu.dma_semaphore, #tpu.memory_space<semaphore_mem>>)
      %dma_wait3A_790 = arith.constant 0 : i32
      %dma_wait3A_791 = tpu.memref_slice %arg2[%dma_wait3A_790, %mul3A_2] : memref<50x4096xi32, #tpu.memory_space<hbm>> -> memref<50x128xi32, #tpu.memory_space<hbm>>
      %dma_wait3A_792 = arith.constant 0 : i32
      %dma_wait3A_793 = tpu.memref_slice %arg2[%dma_wait3A_792, %mul3A_2] : memref<50x4096xi32, #tpu.memory_space<hbm>> -> memref<50x128xi32, #tpu.memory_space<hbm>>
      tpu.wait_dma2 semaphore(%run_scoped3A : memref<!tpu.dma_semaphore, #tpu.memory_space<semaphore_mem>>) src(%dma_wait3A_793 : memref<50x128xi32, #tpu.memory_space<hbm>>) dst(%arg5 : memref<50x128xi32, #tpu.memory_space<vmem>>)
      tpu.yield
    }) : () -> ()
    %dma_start3A = arith.constant 0 : i32
    %dma_start3A_3 = arith.constant 0 : i32
    %dma_start3A_4 = arith.constant 0 : i32
    %dma_start3A_5 = arith.constant 0 : i32
    %dma_start3A_6 = tpu.memref_slice %arg6[%dma_start3A_3, %dma_start3A_4, %dma_start3A_5] : memref<5x128x128xf32, #tpu.memory_space<vmem>> -> memref<1x128x128xf32, #tpu.memory_space<vmem>>
    %dma_start3A_7 = tpu.memref_squeeze %dma_start3A_6 : memref<1x128x128xf32, #tpu.memory_space<vmem>> -> memref<128x128xf32, #tpu.memory_space<vmem>>
    %dma_start3A_8 = arith.constant 0 : i32
    %dma_start3A_9 = arith.constant 0 : i32
    %dma_start3A_10 = tpu.memref_slice %dma_start3A_7[%dma_start3A_8, %dma_start3A_9] : memref<128x128xf32, #tpu.memory_space<vmem>> -> memref<64x128xf32, #tpu.memory_space<vmem>>
    %dma_start3A_11 = arith.constant 0 : i32
    %dma_start3A_12 = tpu.memref_slice %arg5[%dma_start3A, %dma_start3A_11] : memref<50x128xi32, #tpu.memory_space<vmem>> -> memref<1x128xi32, #tpu.memory_space<vmem>>
    %dma_start3A_13 = tpu.memref_squeeze %dma_start3A_12 : memref<1x128xi32, #tpu.memory_space<vmem>> -> memref<128xi32, #tpu.memory_space<vmem>>
    %dma_start3A_14 = arith.constant 0 : i32
    %dma_start3A_15 = tpu.memref_slice %dma_start3A_13[%dma_start3A_14] : memref<128xi32, #tpu.memory_space<vmem>> -> memref<64xi32, #tpu.memory_space<vmem>>
    %dma_start3A_16 = arith.constant 0 : i32
    %dma_start3A_17 = arith.constant 0 : i32
    %dma_start3A_18 = tpu.memref_slice %arg3[%dma_start3A_16, %dma_start3A_17] : memref<100000x128xf32, #tpu.memory_space<hbm>> -> memref<100000x128xf32, #tpu.memory_space<hbm>>
    tpu.enqueue_indirect_dma source(%dma_start3A_18 : memref<100000x128xf32, #tpu.memory_space<hbm>>) target(%dma_start3A_10 : memref<64x128xf32, #tpu.memory_space<vmem>>) offsets(%dma_start3A_15 : memref<64xi32, #tpu.memory_space<vmem>>) semaphore(%arg7 : memref<!tpu.dma_semaphore, #tpu.memory_space<semaphore_mem>>)
    %dma_start3A_19 = arith.constant 0 : i32
    %dma_start3A_20 = arith.constant 0 : i32
    %dma_start3A_21 = arith.constant 0 : i32
    %dma_start3A_22 = arith.constant 0 : i32
    %dma_start3A_23 = tpu.memref_slice %arg6[%dma_start3A_20, %dma_start3A_21, %dma_start3A_22] : memref<5x128x128xf32, #tpu.memory_space<vmem>> -> memref<1x128x128xf32, #tpu.memory_space<vmem>>
    %dma_start3A_24 = tpu.memref_squeeze %dma_start3A_23 : memref<1x128x128xf32, #tpu.memory_space<vmem>> -> memref<128x128xf32, #tpu.memory_space<vmem>>
    %dma_start3A_25 = arith.constant 64 : i32
    %dma_start3A_26 = arith.constant 0 : i32
    %dma_start3A_27 = tpu.memref_slice %dma_start3A_24[%dma_start3A_25, %dma_start3A_26] : memref<128x128xf32, #tpu.memory_space<vmem>> -> memref<64x128xf32, #tpu.memory_space<vmem>>
    %dma_start3A_28 = arith.constant 0 : i32
    %dma_start3A_29 = tpu.memref_slice %arg5[%dma_start3A_19, %dma_start3A_28] : memref<50x128xi32, #tpu.memory_space<vmem>> -> memref<1x128xi32, #tpu.memory_space<vmem>>
    %dma_start3A_30 = tpu.memref_squeeze %dma_start3A_29 : memref<1x128xi32, #tpu.memory_space<vmem>> -> memref<128xi32, #tpu.memory_space<vmem>>
    %dma_start3A_31 = arith.constant 64 : i32
    %dma_start3A_32 = tpu.memref_slice %dma_start3A_30[%dma_start3A_31] : memref<128xi32, #tpu.memory_space<vmem>> -> memref<64xi32, #tpu.memory_space<vmem>>
    %dma_start3A_33 = arith.constant 0 : i32
    %dma_start3A_34 = arith.constant 0 : i32
    %dma_start3A_35 = tpu.memref_slice %arg3[%dma_start3A_33, %dma_start3A_34] : memref<100000x128xf32, #tpu.memory_space<hbm>> -> memref<100000x128xf32, #tpu.memory_space<hbm>>
    tpu.enqueue_indirect_dma source(%dma_start3A_35 : memref<100000x128xf32, #tpu.memory_space<hbm>>) target(%dma_start3A_27 : memref<64x128xf32, #tpu.memory_space<vmem>>) offsets(%dma_start3A_32 : memref<64xi32, #tpu.memory_space<vmem>>) semaphore(%arg7 : memref<!tpu.dma_semaphore, #tpu.memory_space<semaphore_mem>>)
    %dma_start3A_36 = arith.constant 1 : i32
    %dma_start3A_37 = arith.constant 1 : i32
    %dma_start3A_38 = arith.constant 0 : i32
    %dma_start3A_39 = arith.constant 0 : i32
    %dma_start3A_40 = tpu.memref_slice %arg6[%dma_start3A_37, %dma_start3A_38, %dma_start3A_39] : memref<5x128x128xf32, #tpu.memory_space<vmem>> -> memref<1x128x128xf32, #tpu.memory_space<vmem>>
    %dma_start3A_41 = tpu.memref_squeeze %dma_start3A_40 : memref<1x128x128xf32, #tpu.memory_space<vmem>> -> memref<128x128xf32, #tpu.memory_space<vmem>>
    %dma_start3A_42 = arith.constant 0 : i32
    %dma_start3A_43 = arith.constant 0 : i32
    %dma_start3A_44 = tpu.memref_slice %dma_start3A_41[%dma_start3A_42, %dma_start3A_43] : memref<128x128xf32, #tpu.memory_space<vmem>> -> memref<64x128xf32, #tpu.memory_space<vmem>>
    %dma_start3A_45 = arith.constant 0 : i32
    %dma_start3A_46 = tpu.memref_slice %arg5[%dma_start3A_36, %dma_start3A_45] : memref<50x128xi32, #tpu.memory_space<vmem>> -> memref<1x128xi32, #tpu.memory_space<vmem>>
    %dma_start3A_47 = tpu.memref_squeeze %dma_start3A_46 : memref<1x128xi32, #tpu.memory_space<vmem>> -> memref<128xi32, #tpu.memory_space<vmem>>
    %dma_start3A_48 = arith.constant 0 : i32
    %dma_start3A_49 = tpu.memref_slice %dma_start3A_47[%dma_start3A_48] : memref<128xi32, #tpu.memory_space<vmem>> -> memref<64xi32, #tpu.memory_space<vmem>>
    %dma_start3A_50 = arith.constant 0 : i32
    %dma_start3A_51 = arith.constant 0 : i32
    %dma_start3A_52 = tpu.memref_slice %arg3[%dma_start3A_50, %dma_start3A_51] : memref<100000x128xf32, #tpu.memory_space<hbm>> -> memref<100000x128xf32, #tpu.memory_space<hbm>>
    tpu.enqueue_indirect_dma source(%dma_start3A_52 : memref<100000x128xf32, #tpu.memory_space<hbm>>) target(%dma_start3A_44 : memref<64x128xf32, #tpu.memory_space<vmem>>) offsets(%dma_start3A_49 : memref<64xi32, #tpu.memory_space<vmem>>) semaphore(%arg8 : memref<!tpu.dma_semaphore, #tpu.memory_space<semaphore_mem>>)
    %dma_start3A_53 = arith.constant 1 : i32
    %dma_start3A_54 = arith.constant 1 : i32
    %dma_start3A_55 = arith.constant 0 : i32
    %dma_start3A_56 = arith.constant 0 : i32
    %dma_start3A_57 = tpu.memref_slice %arg6[%dma_start3A_54, %dma_start3A_55, %dma_start3A_56] : memref<5x128x128xf32, #tpu.memory_space<vmem>> -> memref<1x128x128xf32, #tpu.memory_space<vmem>>
    %dma_start3A_58 = tpu.memref_squeeze %dma_start3A_57 : memref<1x128x128xf32, #tpu.memory_space<vmem>> -> memref<128x128xf32, #tpu.memory_space<vmem>>
    %dma_start3A_59 = arith.constant 64 : i32
    %dma_start3A_60 = arith.constant 0 : i32
    %dma_start3A_61 = tpu.memref_slice %dma_start3A_58[%dma_start3A_59, %dma_start3A_60] : memref<128x128xf32, #tpu.memory_space<vmem>> -> memref<64x128xf32, #tpu.memory_space<vmem>>
    %dma_start3A_62 = arith.constant 0 : i32
    %dma_start3A_63 = tpu.memref_slice %arg5[%dma_start3A_53, %dma_start3A_62] : memref<50x128xi32, #tpu.memory_space<vmem>> -> memref<1x128xi32, #tpu.memory_space<vmem>>
    %dma_start3A_64 = tpu.memref_squeeze %dma_start3A_63 : memref<1x128xi32, #tpu.memory_space<vmem>> -> memref<128xi32, #tpu.memory_space<vmem>>
    %dma_start3A_65 = arith.constant 64 : i32
    %dma_start3A_66 = tpu.memref_slice %dma_start3A_64[%dma_start3A_65] : memref<128xi32, #tpu.memory_space<vmem>> -> memref<64xi32, #tpu.memory_space<vmem>>
    %dma_start3A_67 = arith.constant 0 : i32
    %dma_start3A_68 = arith.constant 0 : i32
    %dma_start3A_69 = tpu.memref_slice %arg3[%dma_start3A_67, %dma_start3A_68] : memref<100000x128xf32, #tpu.memory_space<hbm>> -> memref<100000x128xf32, #tpu.memory_space<hbm>>
    tpu.enqueue_indirect_dma source(%dma_start3A_69 : memref<100000x128xf32, #tpu.memory_space<hbm>>) target(%dma_start3A_61 : memref<64x128xf32, #tpu.memory_space<vmem>>) offsets(%dma_start3A_66 : memref<64xi32, #tpu.memory_space<vmem>>) semaphore(%arg8 : memref<!tpu.dma_semaphore, #tpu.memory_space<semaphore_mem>>)
    %dma_start3A_70 = arith.constant 2 : i32
    %dma_start3A_71 = arith.constant 2 : i32
    %dma_start3A_72 = arith.constant 0 : i32
    %dma_start3A_73 = arith.constant 0 : i32
    %dma_start3A_74 = tpu.memref_slice %arg6[%dma_start3A_71, %dma_start3A_72, %dma_start3A_73] : memref<5x128x128xf32, #tpu.memory_space<vmem>> -> memref<1x128x128xf32, #tpu.memory_space<vmem>>
    %dma_start3A_75 = tpu.memref_squeeze %dma_start3A_74 : memref<1x128x128xf32, #tpu.memory_space<vmem>> -> memref<128x128xf32, #tpu.memory_space<vmem>>
    %dma_start3A_76 = arith.constant 0 : i32
    %dma_start3A_77 = arith.constant 0 : i32
    %dma_start3A_78 = tpu.memref_slice %dma_start3A_75[%dma_start3A_76, %dma_start3A_77] : memref<128x128xf32, #tpu.memory_space<vmem>> -> memref<64x128xf32, #tpu.memory_space<vmem>>
    %dma_start3A_79 = arith.constant 0 : i32
    %dma_start3A_80 = tpu.memref_slice %arg5[%dma_start3A_70, %dma_start3A_79] : memref<50x128xi32, #tpu.memory_space<vmem>> -> memref<1x128xi32, #tpu.memory_space<vmem>>
    %dma_start3A_81 = tpu.memref_squeeze %dma_start3A_80 : memref<1x128xi32, #tpu.memory_space<vmem>> -> memref<128xi32, #tpu.memory_space<vmem>>
    %dma_start3A_82 = arith.constant 0 : i32
    %dma_start3A_83 = tpu.memref_slice %dma_start3A_81[%dma_start3A_82] : memref<128xi32, #tpu.memory_space<vmem>> -> memref<64xi32, #tpu.memory_space<vmem>>
    %dma_start3A_84 = arith.constant 0 : i32
    %dma_start3A_85 = arith.constant 0 : i32
    %dma_start3A_86 = tpu.memref_slice %arg3[%dma_start3A_84, %dma_start3A_85] : memref<100000x128xf32, #tpu.memory_space<hbm>> -> memref<100000x128xf32, #tpu.memory_space<hbm>>
    tpu.enqueue_indirect_dma source(%dma_start3A_86 : memref<100000x128xf32, #tpu.memory_space<hbm>>) target(%dma_start3A_78 : memref<64x128xf32, #tpu.memory_space<vmem>>) offsets(%dma_start3A_83 : memref<64xi32, #tpu.memory_space<vmem>>) semaphore(%arg9 : memref<!tpu.dma_semaphore, #tpu.memory_space<semaphore_mem>>)
    %dma_start3A_87 = arith.constant 2 : i32
    %dma_start3A_88 = arith.constant 2 : i32
    %dma_start3A_89 = arith.constant 0 : i32
    %dma_start3A_90 = arith.constant 0 : i32
    %dma_start3A_91 = tpu.memref_slice %arg6[%dma_start3A_88, %dma_start3A_89, %dma_start3A_90] : memref<5x128x128xf32, #tpu.memory_space<vmem>> -> memref<1x128x128xf32, #tpu.memory_space<vmem>>
    %dma_start3A_92 = tpu.memref_squeeze %dma_start3A_91 : memref<1x128x128xf32, #tpu.memory_space<vmem>> -> memref<128x128xf32, #tpu.memory_space<vmem>>
    %dma_start3A_93 = arith.constant 64 : i32
    %dma_start3A_94 = arith.constant 0 : i32
    %dma_start3A_95 = tpu.memref_slice %dma_start3A_92[%dma_start3A_93, %dma_start3A_94] : memref<128x128xf32, #tpu.memory_space<vmem>> -> memref<64x128xf32, #tpu.memory_space<vmem>>
    %dma_start3A_96 = arith.constant 0 : i32
    %dma_start3A_97 = tpu.memref_slice %arg5[%dma_start3A_87, %dma_start3A_96] : memref<50x128xi32, #tpu.memory_space<vmem>> -> memref<1x128xi32, #tpu.memory_space<vmem>>
    %dma_start3A_98 = tpu.memref_squeeze %dma_start3A_97 : memref<1x128xi32, #tpu.memory_space<vmem>> -> memref<128xi32, #tpu.memory_space<vmem>>
    %dma_start3A_99 = arith.constant 64 : i32
    %dma_start3A_100 = tpu.memref_slice %dma_start3A_98[%dma_start3A_99] : memref<128xi32, #tpu.memory_space<vmem>> -> memref<64xi32, #tpu.memory_space<vmem>>
    %dma_start3A_101 = arith.constant 0 : i32
    %dma_start3A_102 = arith.constant 0 : i32
    %dma_start3A_103 = tpu.memref_slice %arg3[%dma_start3A_101, %dma_start3A_102] : memref<100000x128xf32, #tpu.memory_space<hbm>> -> memref<100000x128xf32, #tpu.memory_space<hbm>>
    tpu.enqueue_indirect_dma source(%dma_start3A_103 : memref<100000x128xf32, #tpu.memory_space<hbm>>) target(%dma_start3A_95 : memref<64x128xf32, #tpu.memory_space<vmem>>) offsets(%dma_start3A_100 : memref<64xi32, #tpu.memory_space<vmem>>) semaphore(%arg9 : memref<!tpu.dma_semaphore, #tpu.memory_space<semaphore_mem>>)
    %dma_wait3A = arith.constant 0 : i32
    %dma_wait3A_104 = arith.constant 0 : i32
    %dma_wait3A_105 = arith.constant 0 : i32
    %dma_wait3A_106 = arith.constant 0 : i32
    %dma_wait3A_107 = tpu.memref_slice %arg6[%dma_wait3A_104, %dma_wait3A_105, %dma_wait3A_106] : memref<5x128x128xf32, #tpu.memory_space<vmem>> -> memref<1x128x128xf32, #tpu.memory_space<vmem>>
    %dma_wait3A_108 = tpu.memref_squeeze %dma_wait3A_107 : memref<1x128x128xf32, #tpu.memory_space<vmem>> -> memref<128x128xf32, #tpu.memory_space<vmem>>
    %dma_wait3A_109 = arith.constant 0 : i32
    %dma_wait3A_110 = tpu.memref_slice %arg5[%dma_wait3A, %dma_wait3A_109] : memref<50x128xi32, #tpu.memory_space<vmem>> -> memref<1x128xi32, #tpu.memory_space<vmem>>
    %dma_wait3A_111 = tpu.memref_squeeze %dma_wait3A_110 : memref<1x128xi32, #tpu.memory_space<vmem>> -> memref<128xi32, #tpu.memory_space<vmem>>
    %dma_wait3A_112 = arith.constant 0 : i32
    %dma_wait3A_113 = arith.constant 0 : i32
    %dma_wait3A_114 = tpu.memref_slice %arg3[%dma_wait3A_112, %dma_wait3A_113] : memref<100000x128xf32, #tpu.memory_space<hbm>> -> memref<100000x128xf32, #tpu.memory_space<hbm>>
    tpu.wait_indirect_dma semaphore(%arg7 : memref<!tpu.dma_semaphore, #tpu.memory_space<semaphore_mem>>) src(%dma_wait3A_114 : memref<100000x128xf32, #tpu.memory_space<hbm>>) dst(%dma_wait3A_108 : memref<128x128xf32, #tpu.memory_space<vmem>>)
    %dma_start3A_115 = arith.constant 0 : i32
    %dma_start3A_116 = arith.constant 0 : i32
    %dma_start3A_117 = arith.constant 0 : i32
    %dma_start3A_118 = arith.constant 0 : i32
    %dma_start3A_119 = tpu.memref_slice %arg6[%dma_start3A_115, %dma_start3A_117, %dma_start3A_118] : memref<5x128x128xf32, #tpu.memory_space<vmem>> -> memref<1x128x128xf32, #tpu.memory_space<vmem>>
    %dma_start3A_120 = tpu.memref_squeeze %dma_start3A_119 : memref<1x128x128xf32, #tpu.memory_space<vmem>> -> memref<128x128xf32, #tpu.memory_space<vmem>>
    %dma_start3A_121 = arith.constant 0 : i32
    %dma_start3A_122 = tpu.memref_slice %arg4[%dma_start3A_116, %mul3A_2, %dma_start3A_121] : memref<50x4096x128xf32, #tpu.memory_space<hbm>> -> memref<1x128x128xf32, #tpu.memory_space<hbm>>
    %dma_start3A_123 = tpu.memref_squeeze %dma_start3A_122 : memref<1x128x128xf32, #tpu.memory_space<hbm>> -> memref<128x128xf32, #tpu.memory_space<hbm>>
    %dma_start3A_124 = arith.constant 0 : i32
    %dma_start3A_125 = tpu.memref_slice %arg4[%dma_start3A_116, %mul3A_2, %dma_start3A_124] : memref<50x4096x128xf32, #tpu.memory_space<hbm>> -> memref<1x128x128xf32, #tpu.memory_space<hbm>>
    %dma_start3A_126 = tpu.memref_squeeze %dma_start3A_125 : memref<1x128x128xf32, #tpu.memory_space<hbm>> -> memref<128x128xf32, #tpu.memory_space<hbm>>
    %dma_start3A_127 = arith.constant 0 : i32
    %dma_start3A_128 = arith.constant 0 : i32
    %dma_start3A_129 = tpu.memref_slice %arg6[%dma_start3A_115, %dma_start3A_127, %dma_start3A_128] : memref<5x128x128xf32, #tpu.memory_space<vmem>> -> memref<1x128x128xf32, #tpu.memory_space<vmem>>
    %dma_start3A_130 = tpu.memref_squeeze %dma_start3A_129 : memref<1x128x128xf32, #tpu.memory_space<vmem>> -> memref<128x128xf32, #tpu.memory_space<vmem>>
    tpu.enqueue_dma source(%dma_start3A_130 : memref<128x128xf32, #tpu.memory_space<vmem>>) target(%dma_start3A_126 : memref<128x128xf32, #tpu.memory_space<hbm>>) target_semaphore(%arg12 : memref<!tpu.dma_semaphore, #tpu.memory_space<semaphore_mem>>)
    %dma_start3A_131 = arith.constant 3 : i32
    %dma_start3A_132 = arith.constant 3 : i32
    %dma_start3A_133 = arith.constant 0 : i32
    %dma_start3A_134 = arith.constant 0 : i32
    %dma_start3A_135 = tpu.memref_slice %arg6[%dma_start3A_132, %dma_start3A_133, %dma_start3A_134] : memref<5x128x128xf32, #tpu.memory_space<vmem>> -> memref<1x128x128xf32, #tpu.memory_space<vmem>>
    %dma_start3A_136 = tpu.memref_squeeze %dma_start3A_135 : memref<1x128x128xf32, #tpu.memory_space<vmem>> -> memref<128x128xf32, #tpu.memory_space<vmem>>
    %dma_start3A_137 = arith.constant 0 : i32
    %dma_start3A_138 = arith.constant 0 : i32
    %dma_start3A_139 = tpu.memref_slice %dma_start3A_136[%dma_start3A_137, %dma_start3A_138] : memref<128x128xf32, #tpu.memory_space<vmem>> -> memref<64x128xf32, #tpu.memory_space<vmem>>
    %dma_start3A_140 = arith.constant 0 : i32
    %dma_start3A_141 = tpu.memref_slice %arg5[%dma_start3A_131, %dma_start3A_140] : memref<50x128xi32, #tpu.memory_space<vmem>> -> memref<1x128xi32, #tpu.memory_space<vmem>>
    %dma_start3A_142 = tpu.memref_squeeze %dma_start3A_141 : memref<1x128xi32, #tpu.memory_space<vmem>> -> memref<128xi32, #tpu.memory_space<vmem>>
    %dma_start3A_143 = arith.constant 0 : i32
    %dma_start3A_144 = tpu.memref_slice %dma_start3A_142[%dma_start3A_143] : memref<128xi32, #tpu.memory_space<vmem>> -> memref<64xi32, #tpu.memory_space<vmem>>
    %dma_start3A_145 = arith.constant 0 : i32
    %dma_start3A_146 = arith.constant 0 : i32
    %dma_start3A_147 = tpu.memref_slice %arg3[%dma_start3A_145, %dma_start3A_146] : memref<100000x128xf32, #tpu.memory_space<hbm>> -> memref<100000x128xf32, #tpu.memory_space<hbm>>
    tpu.enqueue_indirect_dma source(%dma_start3A_147 : memref<100000x128xf32, #tpu.memory_space<hbm>>) target(%dma_start3A_139 : memref<64x128xf32, #tpu.memory_space<vmem>>) offsets(%dma_start3A_144 : memref<64xi32, #tpu.memory_space<vmem>>) semaphore(%arg10 : memref<!tpu.dma_semaphore, #tpu.memory_space<semaphore_mem>>)
    %dma_start3A_148 = arith.constant 3 : i32
    %dma_start3A_149 = arith.constant 3 : i32
    %dma_start3A_150 = arith.constant 0 : i32
    %dma_start3A_151 = arith.constant 0 : i32
    %dma_start3A_152 = tpu.memref_slice %arg6[%dma_start3A_149, %dma_start3A_150, %dma_start3A_151] : memref<5x128x128xf32, #tpu.memory_space<vmem>> -> memref<1x128x128xf32, #tpu.memory_space<vmem>>
    %dma_start3A_153 = tpu.memref_squeeze %dma_start3A_152 : memref<1x128x128xf32, #tpu.memory_space<vmem>> -> memref<128x128xf32, #tpu.memory_space<vmem>>
    %dma_start3A_154 = arith.constant 64 : i32
    %dma_start3A_155 = arith.constant 0 : i32
    %dma_start3A_156 = tpu.memref_slice %dma_start3A_153[%dma_start3A_154, %dma_start3A_155] : memref<128x128xf32, #tpu.memory_space<vmem>> -> memref<64x128xf32, #tpu.memory_space<vmem>>
    %dma_start3A_157 = arith.constant 0 : i32
    %dma_start3A_158 = tpu.memref_slice %arg5[%dma_start3A_148, %dma_start3A_157] : memref<50x128xi32, #tpu.memory_space<vmem>> -> memref<1x128xi32, #tpu.memory_space<vmem>>
    %dma_start3A_159 = tpu.memref_squeeze %dma_start3A_158 : memref<1x128xi32, #tpu.memory_space<vmem>> -> memref<128xi32, #tpu.memory_space<vmem>>
    %dma_start3A_160 = arith.constant 64 : i32
    %dma_start3A_161 = tpu.memref_slice %dma_start3A_159[%dma_start3A_160] : memref<128xi32, #tpu.memory_space<vmem>> -> memref<64xi32, #tpu.memory_space<vmem>>
    %dma_start3A_162 = arith.constant 0 : i32
    %dma_start3A_163 = arith.constant 0 : i32
    %dma_start3A_164 = tpu.memref_slice %arg3[%dma_start3A_162, %dma_start3A_163] : memref<100000x128xf32, #tpu.memory_space<hbm>> -> memref<100000x128xf32, #tpu.memory_space<hbm>>
    tpu.enqueue_indirect_dma source(%dma_start3A_164 : memref<100000x128xf32, #tpu.memory_space<hbm>>) target(%dma_start3A_156 : memref<64x128xf32, #tpu.memory_space<vmem>>) offsets(%dma_start3A_161 : memref<64xi32, #tpu.memory_space<vmem>>) semaphore(%arg10 : memref<!tpu.dma_semaphore, #tpu.memory_space<semaphore_mem>>)
    %dma_wait3A_165 = arith.constant 0 : i32
    %dma_wait3A_166 = arith.constant 1 : i32
    %dma_wait3A_167 = arith.constant 0 : i32
    %dma_wait3A_168 = arith.constant 0 : i32
    %dma_wait3A_169 = tpu.memref_slice %arg6[%dma_wait3A_166, %dma_wait3A_167, %dma_wait3A_168] : memref<5x128x128xf32, #tpu.memory_space<vmem>> -> memref<1x128x128xf32, #tpu.memory_space<vmem>>
    %dma_wait3A_170 = tpu.memref_squeeze %dma_wait3A_169 : memref<1x128x128xf32, #tpu.memory_space<vmem>> -> memref<128x128xf32, #tpu.memory_space<vmem>>
    %dma_wait3A_171 = arith.constant 0 : i32
    %dma_wait3A_172 = tpu.memref_slice %arg5[%dma_wait3A_165, %dma_wait3A_171] : memref<50x128xi32, #tpu.memory_space<vmem>> -> memref<1x128xi32, #tpu.memory_space<vmem>>
    %dma_wait3A_173 = tpu.memref_squeeze %dma_wait3A_172 : memref<1x128xi32, #tpu.memory_space<vmem>> -> memref<128xi32, #tpu.memory_space<vmem>>
    %dma_wait3A_174 = arith.constant 0 : i32
    %dma_wait3A_175 = arith.constant 0 : i32
    %dma_wait3A_176 = tpu.memref_slice %arg3[%dma_wait3A_174, %dma_wait3A_175] : memref<100000x128xf32, #tpu.memory_space<hbm>> -> memref<100000x128xf32, #tpu.memory_space<hbm>>
    tpu.wait_indirect_dma semaphore(%arg8 : memref<!tpu.dma_semaphore, #tpu.memory_space<semaphore_mem>>) src(%dma_wait3A_176 : memref<100000x128xf32, #tpu.memory_space<hbm>>) dst(%dma_wait3A_170 : memref<128x128xf32, #tpu.memory_space<vmem>>)
    %dma_start3A_177 = arith.constant 1 : i32
    %dma_start3A_178 = arith.constant 1 : i32
    %dma_start3A_179 = arith.constant 0 : i32
    %dma_start3A_180 = arith.constant 0 : i32
    %dma_start3A_181 = tpu.memref_slice %arg6[%dma_start3A_177, %dma_start3A_179, %dma_start3A_180] : memref<5x128x128xf32, #tpu.memory_space<vmem>> -> memref<1x128x128xf32, #tpu.memory_space<vmem>>
    %dma_start3A_182 = tpu.memref_squeeze %dma_start3A_181 : memref<1x128x128xf32, #tpu.memory_space<vmem>> -> memref<128x128xf32, #tpu.memory_space<vmem>>
    %dma_start3A_183 = arith.constant 0 : i32
    %dma_start3A_184 = tpu.memref_slice %arg4[%dma_start3A_178, %mul3A_2, %dma_start3A_183] : memref<50x4096x128xf32, #tpu.memory_space<hbm>> -> memref<1x128x128xf32, #tpu.memory_space<hbm>>
    %dma_start3A_185 = tpu.memref_squeeze %dma_start3A_184 : memref<1x128x128xf32, #tpu.memory_space<hbm>> -> memref<128x128xf32, #tpu.memory_space<hbm>>
    %dma_start3A_186 = arith.constant 0 : i32
    %dma_start3A_187 = tpu.memref_slice %arg4[%dma_start3A_178, %mul3A_2, %dma_start3A_186] : memref<50x4096x128xf32, #tpu.memory_space<hbm>> -> memref<1x128x128xf32, #tpu.memory_space<hbm>>
    %dma_start3A_188 = tpu.memref_squeeze %dma_start3A_187 : memref<1x128x128xf32, #tpu.memory_space<hbm>> -> memref<128x128xf32, #tpu.memory_space<hbm>>
    %dma_start3A_189 = arith.constant 0 : i32
    %dma_start3A_190 = arith.constant 0 : i32
    %dma_start3A_191 = tpu.memref_slice %arg6[%dma_start3A_177, %dma_start3A_189, %dma_start3A_190] : memref<5x128x128xf32, #tpu.memory_space<vmem>> -> memref<1x128x128xf32, #tpu.memory_space<vmem>>
    %dma_start3A_192 = tpu.memref_squeeze %dma_start3A_191 : memref<1x128x128xf32, #tpu.memory_space<vmem>> -> memref<128x128xf32, #tpu.memory_space<vmem>>
    tpu.enqueue_dma source(%dma_start3A_192 : memref<128x128xf32, #tpu.memory_space<vmem>>) target(%dma_start3A_188 : memref<128x128xf32, #tpu.memory_space<hbm>>) target_semaphore(%arg13 : memref<!tpu.dma_semaphore, #tpu.memory_space<semaphore_mem>>)
    %dma_start3A_193 = arith.constant 4 : i32
    %dma_start3A_194 = arith.constant 4 : i32
    %dma_start3A_195 = arith.constant 0 : i32
    %dma_start3A_196 = arith.constant 0 : i32
    %dma_start3A_197 = tpu.memref_slice %arg6[%dma_start3A_194, %dma_start3A_195, %dma_start3A_196] : memref<5x128x128xf32, #tpu.memory_space<vmem>> -> memref<1x128x128xf32, #tpu.memory_space<vmem>>
    %dma_start3A_198 = tpu.memref_squeeze %dma_start3A_197 : memref<1x128x128xf32, #tpu.memory_space<vmem>> -> memref<128x128xf32, #tpu.memory_space<vmem>>
    %dma_start3A_199 = arith.constant 0 : i32
    %dma_start3A_200 = arith.constant 0 : i32
    %dma_start3A_201 = tpu.memref_slice %dma_start3A_198[%dma_start3A_199, %dma_start3A_200] : memref<128x128xf32, #tpu.memory_space<vmem>> -> memref<64x128xf32, #tpu.memory_space<vmem>>
    %dma_start3A_202 = arith.constant 0 : i32
    %dma_start3A_203 = tpu.memref_slice %arg5[%dma_start3A_193, %dma_start3A_202] : memref<50x128xi32, #tpu.memory_space<vmem>> -> memref<1x128xi32, #tpu.memory_space<vmem>>
    %dma_start3A_204 = tpu.memref_squeeze %dma_start3A_203 : memref<1x128xi32, #tpu.memory_space<vmem>> -> memref<128xi32, #tpu.memory_space<vmem>>
    %dma_start3A_205 = arith.constant 0 : i32
    %dma_start3A_206 = tpu.memref_slice %dma_start3A_204[%dma_start3A_205] : memref<128xi32, #tpu.memory_space<vmem>> -> memref<64xi32, #tpu.memory_space<vmem>>
    %dma_start3A_207 = arith.constant 0 : i32
    %dma_start3A_208 = arith.constant 0 : i32
    %dma_start3A_209 = tpu.memref_slice %arg3[%dma_start3A_207, %dma_start3A_208] : memref<100000x128xf32, #tpu.memory_space<hbm>> -> memref<100000x128xf32, #tpu.memory_space<hbm>>
    tpu.enqueue_indirect_dma source(%dma_start3A_209 : memref<100000x128xf32, #tpu.memory_space<hbm>>) target(%dma_start3A_201 : memref<64x128xf32, #tpu.memory_space<vmem>>) offsets(%dma_start3A_206 : memref<64xi32, #tpu.memory_space<vmem>>) semaphore(%arg11 : memref<!tpu.dma_semaphore, #tpu.memory_space<semaphore_mem>>)
    %dma_start3A_210 = arith.constant 4 : i32
    %dma_start3A_211 = arith.constant 4 : i32
    %dma_start3A_212 = arith.constant 0 : i32
    %dma_start3A_213 = arith.constant 0 : i32
    %dma_start3A_214 = tpu.memref_slice %arg6[%dma_start3A_211, %dma_start3A_212, %dma_start3A_213] : memref<5x128x128xf32, #tpu.memory_space<vmem>> -> memref<1x128x128xf32, #tpu.memory_space<vmem>>
    %dma_start3A_215 = tpu.memref_squeeze %dma_start3A_214 : memref<1x128x128xf32, #tpu.memory_space<vmem>> -> memref<128x128xf32, #tpu.memory_space<vmem>>
    %dma_start3A_216 = arith.constant 64 : i32
    %dma_start3A_217 = arith.constant 0 : i32
    %dma_start3A_218 = tpu.memref_slice %dma_start3A_215[%dma_start3A_216, %dma_start3A_217] : memref<128x128xf32, #tpu.memory_space<vmem>> -> memref<64x128xf32, #tpu.memory_space<vmem>>
    %dma_start3A_219 = arith.constant 0 : i32
    %dma_start3A_220 = tpu.memref_slice %arg5[%dma_start3A_210, %dma_start3A_219] : memref<50x128xi32, #tpu.memory_space<vmem>> -> memref<1x128xi32, #tpu.memory_space<vmem>>
    %dma_start3A_221 = tpu.memref_squeeze %dma_start3A_220 : memref<1x128xi32, #tpu.memory_space<vmem>> -> memref<128xi32, #tpu.memory_space<vmem>>
    %dma_start3A_222 = arith.constant 64 : i32
    %dma_start3A_223 = tpu.memref_slice %dma_start3A_221[%dma_start3A_222] : memref<128xi32, #tpu.memory_space<vmem>> -> memref<64xi32, #tpu.memory_space<vmem>>
    %dma_start3A_224 = arith.constant 0 : i32
    %dma_start3A_225 = arith.constant 0 : i32
    %dma_start3A_226 = tpu.memref_slice %arg3[%dma_start3A_224, %dma_start3A_225] : memref<100000x128xf32, #tpu.memory_space<hbm>> -> memref<100000x128xf32, #tpu.memory_space<hbm>>
    tpu.enqueue_indirect_dma source(%dma_start3A_226 : memref<100000x128xf32, #tpu.memory_space<hbm>>) target(%dma_start3A_218 : memref<64x128xf32, #tpu.memory_space<vmem>>) offsets(%dma_start3A_223 : memref<64xi32, #tpu.memory_space<vmem>>) semaphore(%arg11 : memref<!tpu.dma_semaphore, #tpu.memory_space<semaphore_mem>>)
    %dma_wait3A_227 = arith.constant 0 : i32
    %dma_wait3A_228 = arith.constant 2 : i32
    %dma_wait3A_229 = arith.constant 0 : i32
    %dma_wait3A_230 = arith.constant 0 : i32
    %dma_wait3A_231 = tpu.memref_slice %arg6[%dma_wait3A_228, %dma_wait3A_229, %dma_wait3A_230] : memref<5x128x128xf32, #tpu.memory_space<vmem>> -> memref<1x128x128xf32, #tpu.memory_space<vmem>>
    %dma_wait3A_232 = tpu.memref_squeeze %dma_wait3A_231 : memref<1x128x128xf32, #tpu.memory_space<vmem>> -> memref<128x128xf32, #tpu.memory_space<vmem>>
    %dma_wait3A_233 = arith.constant 0 : i32
    %dma_wait3A_234 = tpu.memref_slice %arg5[%dma_wait3A_227, %dma_wait3A_233] : memref<50x128xi32, #tpu.memory_space<vmem>> -> memref<1x128xi32, #tpu.memory_space<vmem>>
    %dma_wait3A_235 = tpu.memref_squeeze %dma_wait3A_234 : memref<1x128xi32, #tpu.memory_space<vmem>> -> memref<128xi32, #tpu.memory_space<vmem>>
    %dma_wait3A_236 = arith.constant 0 : i32
    %dma_wait3A_237 = arith.constant 0 : i32
    %dma_wait3A_238 = tpu.memref_slice %arg3[%dma_wait3A_236, %dma_wait3A_237] : memref<100000x128xf32, #tpu.memory_space<hbm>> -> memref<100000x128xf32, #tpu.memory_space<hbm>>
    tpu.wait_indirect_dma semaphore(%arg9 : memref<!tpu.dma_semaphore, #tpu.memory_space<semaphore_mem>>) src(%dma_wait3A_238 : memref<100000x128xf32, #tpu.memory_space<hbm>>) dst(%dma_wait3A_232 : memref<128x128xf32, #tpu.memory_space<vmem>>)
    %dma_start3A_239 = arith.constant 2 : i32
    %dma_start3A_240 = arith.constant 2 : i32
    %dma_start3A_241 = arith.constant 0 : i32
    %dma_start3A_242 = arith.constant 0 : i32
    %dma_start3A_243 = tpu.memref_slice %arg6[%dma_start3A_239, %dma_start3A_241, %dma_start3A_242] : memref<5x128x128xf32, #tpu.memory_space<vmem>> -> memref<1x128x128xf32, #tpu.memory_space<vmem>>
    %dma_start3A_244 = tpu.memref_squeeze %dma_start3A_243 : memref<1x128x128xf32, #tpu.memory_space<vmem>> -> memref<128x128xf32, #tpu.memory_space<vmem>>
    %dma_start3A_245 = arith.constant 0 : i32
    %dma_start3A_246 = tpu.memref_slice %arg4[%dma_start3A_240, %mul3A_2, %dma_start3A_245] : memref<50x4096x128xf32, #tpu.memory_space<hbm>> -> memref<1x128x128xf32, #tpu.memory_space<hbm>>
    %dma_start3A_247 = tpu.memref_squeeze %dma_start3A_246 : memref<1x128x128xf32, #tpu.memory_space<hbm>> -> memref<128x128xf32, #tpu.memory_space<hbm>>
    %dma_start3A_248 = arith.constant 0 : i32
    %dma_start3A_249 = tpu.memref_slice %arg4[%dma_start3A_240, %mul3A_2, %dma_start3A_248] : memref<50x4096x128xf32, #tpu.memory_space<hbm>> -> memref<1x128x128xf32, #tpu.memory_space<hbm>>
    %dma_start3A_250 = tpu.memref_squeeze %dma_start3A_249 : memref<1x128x128xf32, #tpu.memory_space<hbm>> -> memref<128x128xf32, #tpu.memory_space<hbm>>
    %dma_start3A_251 = arith.constant 0 : i32
    %dma_start3A_252 = arith.constant 0 : i32
    %dma_start3A_253 = tpu.memref_slice %arg6[%dma_start3A_239, %dma_start3A_251, %dma_start3A_252] : memref<5x128x128xf32, #tpu.memory_space<vmem>> -> memref<1x128x128xf32, #tpu.memory_space<vmem>>
    %dma_start3A_254 = tpu.memref_squeeze %dma_start3A_253 : memref<1x128x128xf32, #tpu.memory_space<vmem>> -> memref<128x128xf32, #tpu.memory_space<vmem>>
    tpu.enqueue_dma source(%dma_start3A_254 : memref<128x128xf32, #tpu.memory_space<vmem>>) target(%dma_start3A_250 : memref<128x128xf32, #tpu.memory_space<hbm>>) target_semaphore(%arg14 : memref<!tpu.dma_semaphore, #tpu.memory_space<semaphore_mem>>)
    %dma_wait3A_255 = arith.constant 0 : i32
    %dma_wait3A_256 = arith.constant 0 : i32
    %dma_wait3A_257 = arith.constant 0 : i32
    %dma_wait3A_258 = arith.constant 0 : i32
    %dma_wait3A_259 = tpu.memref_slice %arg6[%dma_wait3A_255, %dma_wait3A_257, %dma_wait3A_258] : memref<5x128x128xf32, #tpu.memory_space<vmem>> -> memref<1x128x128xf32, #tpu.memory_space<vmem>>
    %dma_wait3A_260 = tpu.memref_squeeze %dma_wait3A_259 : memref<1x128x128xf32, #tpu.memory_space<vmem>> -> memref<128x128xf32, #tpu.memory_space<vmem>>
    %dma_wait3A_261 = arith.constant 0 : i32
    %dma_wait3A_262 = tpu.memref_slice %arg4[%dma_wait3A_256, %mul3A_2, %dma_wait3A_261] : memref<50x4096x128xf32, #tpu.memory_space<hbm>> -> memref<1x128x128xf32, #tpu.memory_space<hbm>>
    %dma_wait3A_263 = tpu.memref_squeeze %dma_wait3A_262 : memref<1x128x128xf32, #tpu.memory_space<hbm>> -> memref<128x128xf32, #tpu.memory_space<hbm>>
    %dma_wait3A_264 = arith.constant 0 : i32
    %dma_wait3A_265 = tpu.memref_slice %arg4[%dma_wait3A_256, %mul3A_2, %dma_wait3A_264] : memref<50x4096x128xf32, #tpu.memory_space<hbm>> -> memref<1x128x128xf32, #tpu.memory_space<hbm>>
    %dma_wait3A_266 = tpu.memref_squeeze %dma_wait3A_265 : memref<1x128x128xf32, #tpu.memory_space<hbm>> -> memref<128x128xf32, #tpu.memory_space<hbm>>
    %dma_wait3A_267 = arith.constant 0 : i32
    %dma_wait3A_268 = arith.constant 0 : i32
    %dma_wait3A_269 = tpu.memref_slice %arg6[%dma_wait3A_255, %dma_wait3A_267, %dma_wait3A_268] : memref<5x128x128xf32, #tpu.memory_space<vmem>> -> memref<1x128x128xf32, #tpu.memory_space<vmem>>
    %dma_wait3A_270 = tpu.memref_squeeze %dma_wait3A_269 : memref<1x128x128xf32, #tpu.memory_space<vmem>> -> memref<128x128xf32, #tpu.memory_space<vmem>>
    tpu.wait_dma2 semaphore(%arg12 : memref<!tpu.dma_semaphore, #tpu.memory_space<semaphore_mem>>) src(%dma_wait3A_270 : memref<128x128xf32, #tpu.memory_space<vmem>>) dst(%dma_wait3A_266 : memref<128x128xf32, #tpu.memory_space<hbm>>)
    %dma_start3A_271 = arith.constant 5 : i32
    %dma_start3A_272 = arith.constant 0 : i32
    %dma_start3A_273 = arith.constant 0 : i32
    %dma_start3A_274 = arith.constant 0 : i32
    %dma_start3A_275 = tpu.memref_slice %arg6[%dma_start3A_272, %dma_start3A_273, %dma_start3A_274] : memref<5x128x128xf32, #tpu.memory_space<vmem>> -> memref<1x128x128xf32, #tpu.memory_space<vmem>>
    %dma_start3A_276 = tpu.memref_squeeze %dma_start3A_275 : memref<1x128x128xf32, #tpu.memory_space<vmem>> -> memref<128x128xf32, #tpu.memory_space<vmem>>
    %dma_start3A_277 = arith.constant 0 : i32
    %dma_start3A_278 = arith.constant 0 : i32
    %dma_start3A_279 = tpu.memref_slice %dma_start3A_276[%dma_start3A_277, %dma_start3A_278] : memref<128x128xf32, #tpu.memory_space<vmem>> -> memref<64x128xf32, #tpu.memory_space<vmem>>
    %dma_start3A_280 = arith.constant 0 : i32
    %dma_start3A_281 = tpu.memref_slice %arg5[%dma_start3A_271, %dma_start3A_280] : memref<50x128xi32, #tpu.memory_space<vmem>> -> memref<1x128xi32, #tpu.memory_space<vmem>>
    %dma_start3A_282 = tpu.memref_squeeze %dma_start3A_281 : memref<1x128xi32, #tpu.memory_space<vmem>> -> memref<128xi32, #tpu.memory_space<vmem>>
    %dma_start3A_283 = arith.constant 0 : i32
    %dma_start3A_284 = tpu.memref_slice %dma_start3A_282[%dma_start3A_283] : memref<128xi32, #tpu.memory_space<vmem>> -> memref<64xi32, #tpu.memory_space<vmem>>
    %dma_start3A_285 = arith.constant 0 : i32
    %dma_start3A_286 = arith.constant 0 : i32
    %dma_start3A_287 = tpu.memref_slice %arg3[%dma_start3A_285, %dma_start3A_286] : memref<100000x128xf32, #tpu.memory_space<hbm>> -> memref<100000x128xf32, #tpu.memory_space<hbm>>
    tpu.enqueue_indirect_dma source(%dma_start3A_287 : memref<100000x128xf32, #tpu.memory_space<hbm>>) target(%dma_start3A_279 : memref<64x128xf32, #tpu.memory_space<vmem>>) offsets(%dma_start3A_284 : memref<64xi32, #tpu.memory_space<vmem>>) semaphore(%arg7 : memref<!tpu.dma_semaphore, #tpu.memory_space<semaphore_mem>>)
    %dma_start3A_288 = arith.constant 5 : i32
    %dma_start3A_289 = arith.constant 0 : i32
    %dma_start3A_290 = arith.constant 0 : i32
    %dma_start3A_291 = arith.constant 0 : i32
    %dma_start3A_292 = tpu.memref_slice %arg6[%dma_start3A_289, %dma_start3A_290, %dma_start3A_291] : memref<5x128x128xf32, #tpu.memory_space<vmem>> -> memref<1x128x128xf32, #tpu.memory_space<vmem>>
    %dma_start3A_293 = tpu.memref_squeeze %dma_start3A_292 : memref<1x128x128xf32, #tpu.memory_space<vmem>> -> memref<128x128xf32, #tpu.memory_space<vmem>>
    %dma_start3A_294 = arith.constant 64 : i32
    %dma_start3A_295 = arith.constant 0 : i32
    %dma_start3A_296 = tpu.memref_slice %dma_start3A_293[%dma_start3A_294, %dma_start3A_295] : memref<128x128xf32, #tpu.memory_space<vmem>> -> memref<64x128xf32, #tpu.memory_space<vmem>>
    %dma_start3A_297 = arith.constant 0 : i32
    %dma_start3A_298 = tpu.memref_slice %arg5[%dma_start3A_288, %dma_start3A_297] : memref<50x128xi32, #tpu.memory_space<vmem>> -> memref<1x128xi32, #tpu.memory_space<vmem>>
    %dma_start3A_299 = tpu.memref_squeeze %dma_start3A_298 : memref<1x128xi32, #tpu.memory_space<vmem>> -> memref<128xi32, #tpu.memory_space<vmem>>
    %dma_start3A_300 = arith.constant 64 : i32
    %dma_start3A_301 = tpu.memref_slice %dma_start3A_299[%dma_start3A_300] : memref<128xi32, #tpu.memory_space<vmem>> -> memref<64xi32, #tpu.memory_space<vmem>>
    %dma_start3A_302 = arith.constant 0 : i32
    %dma_start3A_303 = arith.constant 0 : i32
    %dma_start3A_304 = tpu.memref_slice %arg3[%dma_start3A_302, %dma_start3A_303] : memref<100000x128xf32, #tpu.memory_space<hbm>> -> memref<100000x128xf32, #tpu.memory_space<hbm>>
    tpu.enqueue_indirect_dma source(%dma_start3A_304 : memref<100000x128xf32, #tpu.memory_space<hbm>>) target(%dma_start3A_296 : memref<64x128xf32, #tpu.memory_space<vmem>>) offsets(%dma_start3A_301 : memref<64xi32, #tpu.memory_space<vmem>>) semaphore(%arg7 : memref<!tpu.dma_semaphore, #tpu.memory_space<semaphore_mem>>)
    %dma_wait3A_305 = arith.constant 0 : i32
    %dma_wait3A_306 = arith.constant 3 : i32
    %dma_wait3A_307 = arith.constant 0 : i32
    %dma_wait3A_308 = arith.constant 0 : i32
    %dma_wait3A_309 = tpu.memref_slice %arg6[%dma_wait3A_306, %dma_wait3A_307, %dma_wait3A_308] : memref<5x128x128xf32, #tpu.memory_space<vmem>> -> memref<1x128x128xf32, #tpu.memory_space<vmem>>
    %dma_wait3A_310 = tpu.memref_squeeze %dma_wait3A_309 : memref<1x128x128xf32, #tpu.memory_space<vmem>> -> memref<128x128xf32, #tpu.memory_space<vmem>>
    %dma_wait3A_311 = arith.constant 0 : i32
    %dma_wait3A_312 = tpu.memref_slice %arg5[%dma_wait3A_305, %dma_wait3A_311] : memref<50x128xi32, #tpu.memory_space<vmem>> -> memref<1x128xi32, #tpu.memory_space<vmem>>
    %dma_wait3A_313 = tpu.memref_squeeze %dma_wait3A_312 : memref<1x128xi32, #tpu.memory_space<vmem>> -> memref<128xi32, #tpu.memory_space<vmem>>
    %dma_wait3A_314 = arith.constant 0 : i32
    %dma_wait3A_315 = arith.constant 0 : i32
    %dma_wait3A_316 = tpu.memref_slice %arg3[%dma_wait3A_314, %dma_wait3A_315] : memref<100000x128xf32, #tpu.memory_space<hbm>> -> memref<100000x128xf32, #tpu.memory_space<hbm>>
    tpu.wait_indirect_dma semaphore(%arg10 : memref<!tpu.dma_semaphore, #tpu.memory_space<semaphore_mem>>) src(%dma_wait3A_316 : memref<100000x128xf32, #tpu.memory_space<hbm>>) dst(%dma_wait3A_310 : memref<128x128xf32, #tpu.memory_space<vmem>>)
    %dma_start3A_317 = arith.constant 3 : i32
    %dma_start3A_318 = arith.constant 3 : i32
    %dma_start3A_319 = arith.constant 0 : i32
    %dma_start3A_320 = arith.constant 0 : i32
    %dma_start3A_321 = tpu.memref_slice %arg6[%dma_start3A_317, %dma_start3A_319, %dma_start3A_320] : memref<5x128x128xf32, #tpu.memory_space<vmem>> -> memref<1x128x128xf32, #tpu.memory_space<vmem>>
    %dma_start3A_322 = tpu.memref_squeeze %dma_start3A_321 : memref<1x128x128xf32, #tpu.memory_space<vmem>> -> memref<128x128xf32, #tpu.memory_space<vmem>>
    %dma_start3A_323 = arith.constant 0 : i32
    %dma_start3A_324 = tpu.memref_slice %arg4[%dma_start3A_318, %mul3A_2, %dma_start3A_323] : memref<50x4096x128xf32, #tpu.memory_space<hbm>> -> memref<1x128x128xf32, #tpu.memory_space<hbm>>
    %dma_start3A_325 = tpu.memref_squeeze %dma_start3A_324 : memref<1x128x128xf32, #tpu.memory_space<hbm>> -> memref<128x128xf32, #tpu.memory_space<hbm>>
    %dma_start3A_326 = arith.constant 0 : i32
    %dma_start3A_327 = tpu.memref_slice %arg4[%dma_start3A_318, %mul3A_2, %dma_start3A_326] : memref<50x4096x128xf32, #tpu.memory_space<hbm>> -> memref<1x128x128xf32, #tpu.memory_space<hbm>>
    %dma_start3A_328 = tpu.memref_squeeze %dma_start3A_327 : memref<1x128x128xf32, #tpu.memory_space<hbm>> -> memref<128x128xf32, #tpu.memory_space<hbm>>
    %dma_start3A_329 = arith.constant 0 : i32
    %dma_start3A_330 = arith.constant 0 : i32
    %dma_start3A_331 = tpu.memref_slice %arg6[%dma_start3A_317, %dma_start3A_329, %dma_start3A_330] : memref<5x128x128xf32, #tpu.memory_space<vmem>> -> memref<1x128x128xf32, #tpu.memory_space<vmem>>
    %dma_start3A_332 = tpu.memref_squeeze %dma_start3A_331 : memref<1x128x128xf32, #tpu.memory_space<vmem>> -> memref<128x128xf32, #tpu.memory_space<vmem>>
    tpu.enqueue_dma source(%dma_start3A_332 : memref<128x128xf32, #tpu.memory_space<vmem>>) target(%dma_start3A_328 : memref<128x128xf32, #tpu.memory_space<hbm>>) target_semaphore(%arg15 : memref<!tpu.dma_semaphore, #tpu.memory_space<semaphore_mem>>)
    %dma_wait3A_333 = arith.constant 1 : i32
    %dma_wait3A_334 = arith.constant 1 : i32
    %dma_wait3A_335 = arith.constant 0 : i32
    %dma_wait3A_336 = arith.constant 0 : i32
    %dma_wait3A_337 = tpu.memref_slice %arg6[%dma_wait3A_333, %dma_wait3A_335, %dma_wait3A_336] : memref<5x128x128xf32, #tpu.memory_space<vmem>> -> memref<1x128x128xf32, #tpu.memory_space<vmem>>
    %dma_wait3A_338 = tpu.memref_squeeze %dma_wait3A_337 : memref<1x128x128xf32, #tpu.memory_space<vmem>> -> memref<128x128xf32, #tpu.memory_space<vmem>>
    %dma_wait3A_339 = arith.constant 0 : i32
    %dma_wait3A_340 = tpu.memref_slice %arg4[%dma_wait3A_334, %mul3A_2, %dma_wait3A_339] : memref<50x4096x128xf32, #tpu.memory_space<hbm>> -> memref<1x128x128xf32, #tpu.memory_space<hbm>>
    %dma_wait3A_341 = tpu.memref_squeeze %dma_wait3A_340 : memref<1x128x128xf32, #tpu.memory_space<hbm>> -> memref<128x128xf32, #tpu.memory_space<hbm>>
    %dma_wait3A_342 = arith.constant 0 : i32
    %dma_wait3A_343 = tpu.memref_slice %arg4[%dma_wait3A_334, %mul3A_2, %dma_wait3A_342] : memref<50x4096x128xf32, #tpu.memory_space<hbm>> -> memref<1x128x128xf32, #tpu.memory_space<hbm>>
    %dma_wait3A_344 = tpu.memref_squeeze %dma_wait3A_343 : memref<1x128x128xf32, #tpu.memory_space<hbm>> -> memref<128x128xf32, #tpu.memory_space<hbm>>
    %dma_wait3A_345 = arith.constant 0 : i32
    %dma_wait3A_346 = arith.constant 0 : i32
    %dma_wait3A_347 = tpu.memref_slice %arg6[%dma_wait3A_333, %dma_wait3A_345, %dma_wait3A_346] : memref<5x128x128xf32, #tpu.memory_space<vmem>> -> memref<1x128x128xf32, #tpu.memory_space<vmem>>
    %dma_wait3A_348 = tpu.memref_squeeze %dma_wait3A_347 : memref<1x128x128xf32, #tpu.memory_space<vmem>> -> memref<128x128xf32, #tpu.memory_space<vmem>>
    tpu.wait_dma2 semaphore(%arg13 : memref<!tpu.dma_semaphore, #tpu.memory_space<semaphore_mem>>) src(%dma_wait3A_348 : memref<128x128xf32, #tpu.memory_space<vmem>>) dst(%dma_wait3A_344 : memref<128x128xf32, #tpu.memory_space<hbm>>)
    %dma_start3A_349 = arith.constant 6 : i32
    %dma_start3A_350 = arith.constant 1 : i32
    %dma_start3A_351 = arith.constant 0 : i32
    %dma_start3A_352 = arith.constant 0 : i32
    %dma_start3A_353 = tpu.memref_slice %arg6[%dma_start3A_350, %dma_start3A_351, %dma_start3A_352] : memref<5x128x128xf32, #tpu.memory_space<vmem>> -> memref<1x128x128xf32, #tpu.memory_space<vmem>>
    %dma_start3A_354 = tpu.memref_squeeze %dma_start3A_353 : memref<1x128x128xf32, #tpu.memory_space<vmem>> -> memref<128x128xf32, #tpu.memory_space<vmem>>
    %dma_start3A_355 = arith.constant 0 : i32
    %dma_start3A_356 = arith.constant 0 : i32
    %dma_start3A_357 = tpu.memref_slice %dma_start3A_354[%dma_start3A_355, %dma_start3A_356] : memref<128x128xf32, #tpu.memory_space<vmem>> -> memref<64x128xf32, #tpu.memory_space<vmem>>
    %dma_start3A_358 = arith.constant 0 : i32
    %dma_start3A_359 = tpu.memref_slice %arg5[%dma_start3A_349, %dma_start3A_358] : memref<50x128xi32, #tpu.memory_space<vmem>> -> memref<1x128xi32, #tpu.memory_space<vmem>>
    %dma_start3A_360 = tpu.memref_squeeze %dma_start3A_359 : memref<1x128xi32, #tpu.memory_space<vmem>> -> memref<128xi32, #tpu.memory_space<vmem>>
    %dma_start3A_361 = arith.constant 0 : i32
    %dma_start3A_362 = tpu.memref_slice %dma_start3A_360[%dma_start3A_361] : memref<128xi32, #tpu.memory_space<vmem>> -> memref<64xi32, #tpu.memory_space<vmem>>
    %dma_start3A_363 = arith.constant 0 : i32
    %dma_start3A_364 = arith.constant 0 : i32
    %dma_start3A_365 = tpu.memref_slice %arg3[%dma_start3A_363, %dma_start3A_364] : memref<100000x128xf32, #tpu.memory_space<hbm>> -> memref<100000x128xf32, #tpu.memory_space<hbm>>
    tpu.enqueue_indirect_dma source(%dma_start3A_365 : memref<100000x128xf32, #tpu.memory_space<hbm>>) target(%dma_start3A_357 : memref<64x128xf32, #tpu.memory_space<vmem>>) offsets(%dma_start3A_362 : memref<64xi32, #tpu.memory_space<vmem>>) semaphore(%arg8 : memref<!tpu.dma_semaphore, #tpu.memory_space<semaphore_mem>>)
    %dma_start3A_366 = arith.constant 6 : i32
    %dma_start3A_367 = arith.constant 1 : i32
    %dma_start3A_368 = arith.constant 0 : i32
    %dma_start3A_369 = arith.constant 0 : i32
    %dma_start3A_370 = tpu.memref_slice %arg6[%dma_start3A_367, %dma_start3A_368, %dma_start3A_369] : memref<5x128x128xf32, #tpu.memory_space<vmem>> -> memref<1x128x128xf32, #tpu.memory_space<vmem>>
    %dma_start3A_371 = tpu.memref_squeeze %dma_start3A_370 : memref<1x128x128xf32, #tpu.memory_space<vmem>> -> memref<128x128xf32, #tpu.memory_space<vmem>>
    %dma_start3A_372 = arith.constant 64 : i32
    %dma_start3A_373 = arith.constant 0 : i32
    %dma_start3A_374 = tpu.memref_slice %dma_start3A_371[%dma_start3A_372, %dma_start3A_373] : memref<128x128xf32, #tpu.memory_space<vmem>> -> memref<64x128xf32, #tpu.memory_space<vmem>>
    %dma_start3A_375 = arith.constant 0 : i32
    %dma_start3A_376 = tpu.memref_slice %arg5[%dma_start3A_366, %dma_start3A_375] : memref<50x128xi32, #tpu.memory_space<vmem>> -> memref<1x128xi32, #tpu.memory_space<vmem>>
    %dma_start3A_377 = tpu.memref_squeeze %dma_start3A_376 : memref<1x128xi32, #tpu.memory_space<vmem>> -> memref<128xi32, #tpu.memory_space<vmem>>
    %dma_start3A_378 = arith.constant 64 : i32
    %dma_start3A_379 = tpu.memref_slice %dma_start3A_377[%dma_start3A_378] : memref<128xi32, #tpu.memory_space<vmem>> -> memref<64xi32, #tpu.memory_space<vmem>>
    %dma_start3A_380 = arith.constant 0 : i32
    %dma_start3A_381 = arith.constant 0 : i32
    %dma_start3A_382 = tpu.memref_slice %arg3[%dma_start3A_380, %dma_start3A_381] : memref<100000x128xf32, #tpu.memory_space<hbm>> -> memref<100000x128xf32, #tpu.memory_space<hbm>>
    tpu.enqueue_indirect_dma source(%dma_start3A_382 : memref<100000x128xf32, #tpu.memory_space<hbm>>) target(%dma_start3A_374 : memref<64x128xf32, #tpu.memory_space<vmem>>) offsets(%dma_start3A_379 : memref<64xi32, #tpu.memory_space<vmem>>) semaphore(%arg8 : memref<!tpu.dma_semaphore, #tpu.memory_space<semaphore_mem>>)
    %dma_wait3A_383 = arith.constant 0 : i32
    %dma_wait3A_384 = arith.constant 4 : i32
    %dma_wait3A_385 = arith.constant 0 : i32
    %dma_wait3A_386 = arith.constant 0 : i32
    %dma_wait3A_387 = tpu.memref_slice %arg6[%dma_wait3A_384, %dma_wait3A_385, %dma_wait3A_386] : memref<5x128x128xf32, #tpu.memory_space<vmem>> -> memref<1x128x128xf32, #tpu.memory_space<vmem>>
    %dma_wait3A_388 = tpu.memref_squeeze %dma_wait3A_387 : memref<1x128x128xf32, #tpu.memory_space<vmem>> -> memref<128x128xf32, #tpu.memory_space<vmem>>
    %dma_wait3A_389 = arith.constant 0 : i32
    %dma_wait3A_390 = tpu.memref_slice %arg5[%dma_wait3A_383, %dma_wait3A_389] : memref<50x128xi32, #tpu.memory_space<vmem>> -> memref<1x128xi32, #tpu.memory_space<vmem>>
    %dma_wait3A_391 = tpu.memref_squeeze %dma_wait3A_390 : memref<1x128xi32, #tpu.memory_space<vmem>> -> memref<128xi32, #tpu.memory_space<vmem>>
    %dma_wait3A_392 = arith.constant 0 : i32
    %dma_wait3A_393 = arith.constant 0 : i32
    %dma_wait3A_394 = tpu.memref_slice %arg3[%dma_wait3A_392, %dma_wait3A_393] : memref<100000x128xf32, #tpu.memory_space<hbm>> -> memref<100000x128xf32, #tpu.memory_space<hbm>>
    tpu.wait_indirect_dma semaphore(%arg11 : memref<!tpu.dma_semaphore, #tpu.memory_space<semaphore_mem>>) src(%dma_wait3A_394 : memref<100000x128xf32, #tpu.memory_space<hbm>>) dst(%dma_wait3A_388 : memref<128x128xf32, #tpu.memory_space<vmem>>)
    %dma_start3A_395 = arith.constant 4 : i32
    %dma_start3A_396 = arith.constant 4 : i32
    %dma_start3A_397 = arith.constant 0 : i32
    %dma_start3A_398 = arith.constant 0 : i32
    %dma_start3A_399 = tpu.memref_slice %arg6[%dma_start3A_395, %dma_start3A_397, %dma_start3A_398] : memref<5x128x128xf32, #tpu.memory_space<vmem>> -> memref<1x128x128xf32, #tpu.memory_space<vmem>>
    %dma_start3A_400 = tpu.memref_squeeze %dma_start3A_399 : memref<1x128x128xf32, #tpu.memory_space<vmem>> -> memref<128x128xf32, #tpu.memory_space<vmem>>
    %dma_start3A_401 = arith.constant 0 : i32
    %dma_start3A_402 = tpu.memref_slice %arg4[%dma_start3A_396, %mul3A_2, %dma_start3A_401] : memref<50x4096x128xf32, #tpu.memory_space<hbm>> -> memref<1x128x128xf32, #tpu.memory_space<hbm>>
    %dma_start3A_403 = tpu.memref_squeeze %dma_start3A_402 : memref<1x128x128xf32, #tpu.memory_space<hbm>> -> memref<128x128xf32, #tpu.memory_space<hbm>>
    %dma_start3A_404 = arith.constant 0 : i32
    %dma_start3A_405 = tpu.memref_slice %arg4[%dma_start3A_396, %mul3A_2, %dma_start3A_404] : memref<50x4096x128xf32, #tpu.memory_space<hbm>> -> memref<1x128x128xf32, #tpu.memory_space<hbm>>
    %dma_start3A_406 = tpu.memref_squeeze %dma_start3A_405 : memref<1x128x128xf32, #tpu.memory_space<hbm>> -> memref<128x128xf32, #tpu.memory_space<hbm>>
    %dma_start3A_407 = arith.constant 0 : i32
    %dma_start3A_408 = arith.constant 0 : i32
    %dma_start3A_409 = tpu.memref_slice %arg6[%dma_start3A_395, %dma_start3A_407, %dma_start3A_408] : memref<5x128x128xf32, #tpu.memory_space<vmem>> -> memref<1x128x128xf32, #tpu.memory_space<vmem>>
    %dma_start3A_410 = tpu.memref_squeeze %dma_start3A_409 : memref<1x128x128xf32, #tpu.memory_space<vmem>> -> memref<128x128xf32, #tpu.memory_space<vmem>>
    tpu.enqueue_dma source(%dma_start3A_410 : memref<128x128xf32, #tpu.memory_space<vmem>>) target(%dma_start3A_406 : memref<128x128xf32, #tpu.memory_space<hbm>>) target_semaphore(%arg16 : memref<!tpu.dma_semaphore, #tpu.memory_space<semaphore_mem>>)
    %scan3A = arith.constant 0 : i32
    %scan3A_411 = arith.constant 1 : i32
    %scan3A_412 = arith.constant 8 : i32
    %scan3A_413 = arith.addi %scan3A_411, %scan3A_412 : i32
    %scan3A_414 = arith.constant 1 : i32
    scf.for %scan3A_786 = %scan3A_411 to %scan3A_413 step %scan3A_414  : i32 {
      %mul3A_787 = arith.constant 5 : i32
      %mul3A_788 = arith.muli %scan3A_786, %mul3A_787 : i32
      %add3A_789 = arith.constant 0 : i32
      %add3A_790 = arith.addi %mul3A_788, %add3A_789 : i32
      %add3A_791 = arith.constant 2 : i32
      %add3A_792 = arith.addi %add3A_790, %add3A_791 : i32
      %sub3A = arith.constant 5 : i32
      %sub3A_793 = arith.subi %add3A_792, %sub3A : i32
      %dma_wait3A_794 = arith.constant 2 : i32
      %dma_wait3A_795 = arith.constant 0 : i32
      %dma_wait3A_796 = arith.constant 0 : i32
      %dma_wait3A_797 = tpu.memref_slice %arg6[%dma_wait3A_794, %dma_wait3A_795, %dma_wait3A_796] : memref<5x128x128xf32, #tpu.memory_space<vmem>> -> memref<1x128x128xf32, #tpu.memory_space<vmem>>
      %dma_wait3A_798 = tpu.memref_squeeze %dma_wait3A_797 : memref<1x128x128xf32, #tpu.memory_space<vmem>> -> memref<128x128xf32, #tpu.memory_space<vmem>>
      %dma_wait3A_799 = arith.constant 0 : i32
      %dma_wait3A_800 = tpu.memref_slice %arg4[%sub3A_793, %mul3A_2, %dma_wait3A_799] : memref<50x4096x128xf32, #tpu.memory_space<hbm>> -> memref<1x128x128xf32, #tpu.memory_space<hbm>>
      %dma_wait3A_801 = tpu.memref_squeeze %dma_wait3A_800 : memref<1x128x128xf32, #tpu.memory_space<hbm>> -> memref<128x128xf32, #tpu.memory_space<hbm>>
      %dma_wait3A_802 = arith.constant 0 : i32
      %dma_wait3A_803 = tpu.memref_slice %arg4[%sub3A_793, %mul3A_2, %dma_wait3A_802] : memref<50x4096x128xf32, #tpu.memory_space<hbm>> -> memref<1x128x128xf32, #tpu.memory_space<hbm>>
      %dma_wait3A_804 = tpu.memref_squeeze %dma_wait3A_803 : memref<1x128x128xf32, #tpu.memory_space<hbm>> -> memref<128x128xf32, #tpu.memory_space<hbm>>
      %dma_wait3A_805 = arith.constant 0 : i32
      %dma_wait3A_806 = arith.constant 0 : i32
      %dma_wait3A_807 = tpu.memref_slice %arg6[%dma_wait3A_794, %dma_wait3A_805, %dma_wait3A_806] : memref<5x128x128xf32, #tpu.memory_space<vmem>> -> memref<1x128x128xf32, #tpu.memory_space<vmem>>
      %dma_wait3A_808 = tpu.memref_squeeze %dma_wait3A_807 : memref<1x128x128xf32, #tpu.memory_space<vmem>> -> memref<128x128xf32, #tpu.memory_space<vmem>>
      tpu.wait_dma2 semaphore(%arg14 : memref<!tpu.dma_semaphore, #tpu.memory_space<semaphore_mem>>) src(%dma_wait3A_808 : memref<128x128xf32, #tpu.memory_space<vmem>>) dst(%dma_wait3A_804 : memref<128x128xf32, #tpu.memory_space<hbm>>)
      %add3A_809 = arith.constant 2 : i32
      %add3A_810 = arith.addi %add3A_790, %add3A_809 : i32
      %dma_start3A_811 = arith.constant 2 : i32
      %dma_start3A_812 = arith.constant 0 : i32
      %dma_start3A_813 = arith.constant 0 : i32
      %dma_start3A_814 = tpu.memref_slice %arg6[%dma_start3A_811, %dma_start3A_812, %dma_start3A_813] : memref<5x128x128xf32, #tpu.memory_space<vmem>> -> memref<1x128x128xf32, #tpu.memory_space<vmem>>
      %dma_start3A_815 = tpu.memref_squeeze %dma_start3A_814 : memref<1x128x128xf32, #tpu.memory_space<vmem>> -> memref<128x128xf32, #tpu.memory_space<vmem>>
      %dma_start3A_816 = arith.constant 0 : i32
      %dma_start3A_817 = arith.constant 0 : i32
      %dma_start3A_818 = tpu.memref_slice %dma_start3A_815[%dma_start3A_816, %dma_start3A_817] : memref<128x128xf32, #tpu.memory_space<vmem>> -> memref<64x128xf32, #tpu.memory_space<vmem>>
      %dma_start3A_819 = arith.constant 0 : i32
      %dma_start3A_820 = tpu.memref_slice %arg5[%add3A_810, %dma_start3A_819] : memref<50x128xi32, #tpu.memory_space<vmem>> -> memref<1x128xi32, #tpu.memory_space<vmem>>
      %dma_start3A_821 = tpu.memref_squeeze %dma_start3A_820 : memref<1x128xi32, #tpu.memory_space<vmem>> -> memref<128xi32, #tpu.memory_space<vmem>>
      %dma_start3A_822 = arith.constant 0 : i32
      %dma_start3A_823 = tpu.memref_slice %dma_start3A_821[%dma_start3A_822] : memref<128xi32, #tpu.memory_space<vmem>> -> memref<64xi32, #tpu.memory_space<vmem>>
      %dma_start3A_824 = arith.constant 0 : i32
      %dma_start3A_825 = arith.constant 0 : i32
      %dma_start3A_826 = tpu.memref_slice %arg3[%dma_start3A_824, %dma_start3A_825] : memref<100000x128xf32, #tpu.memory_space<hbm>> -> memref<100000x128xf32, #tpu.memory_space<hbm>>
      tpu.enqueue_indirect_dma source(%dma_start3A_826 : memref<100000x128xf32, #tpu.memory_space<hbm>>) target(%dma_start3A_818 : memref<64x128xf32, #tpu.memory_space<vmem>>) offsets(%dma_start3A_823 : memref<64xi32, #tpu.memory_space<vmem>>) semaphore(%arg9 : memref<!tpu.dma_semaphore, #tpu.memory_space<semaphore_mem>>)
      %dma_start3A_827 = arith.constant 2 : i32
      %dma_start3A_828 = arith.constant 0 : i32
      %dma_start3A_829 = arith.constant 0 : i32
      %dma_start3A_830 = tpu.memref_slice %arg6[%dma_start3A_827, %dma_start3A_828, %dma_start3A_829] : memref<5x128x128xf32, #tpu.memory_space<vmem>> -> memref<1x128x128xf32, #tpu.memory_space<vmem>>
      %dma_start3A_831 = tpu.memref_squeeze %dma_start3A_830 : memref<1x128x128xf32, #tpu.memory_space<vmem>> -> memref<128x128xf32, #tpu.memory_space<vmem>>
      %dma_start3A_832 = arith.constant 64 : i32
      %dma_start3A_833 = arith.constant 0 : i32
      %dma_start3A_834 = tpu.memref_slice %dma_start3A_831[%dma_start3A_832, %dma_start3A_833] : memref<128x128xf32, #tpu.memory_space<vmem>> -> memref<64x128xf32, #tpu.memory_space<vmem>>
      %dma_start3A_835 = arith.constant 0 : i32
      %dma_start3A_836 = tpu.memref_slice %arg5[%add3A_810, %dma_start3A_835] : memref<50x128xi32, #tpu.memory_space<vmem>> -> memref<1x128xi32, #tpu.memory_space<vmem>>
      %dma_start3A_837 = tpu.memref_squeeze %dma_start3A_836 : memref<1x128xi32, #tpu.memory_space<vmem>> -> memref<128xi32, #tpu.memory_space<vmem>>
      %dma_start3A_838 = arith.constant 64 : i32
      %dma_start3A_839 = tpu.memref_slice %dma_start3A_837[%dma_start3A_838] : memref<128xi32, #tpu.memory_space<vmem>> -> memref<64xi32, #tpu.memory_space<vmem>>
      %dma_start3A_840 = arith.constant 0 : i32
      %dma_start3A_841 = arith.constant 0 : i32
      %dma_start3A_842 = tpu.memref_slice %arg3[%dma_start3A_840, %dma_start3A_841] : memref<100000x128xf32, #tpu.memory_space<hbm>> -> memref<100000x128xf32, #tpu.memory_space<hbm>>
      tpu.enqueue_indirect_dma source(%dma_start3A_842 : memref<100000x128xf32, #tpu.memory_space<hbm>>) target(%dma_start3A_834 : memref<64x128xf32, #tpu.memory_space<vmem>>) offsets(%dma_start3A_839 : memref<64xi32, #tpu.memory_space<vmem>>) semaphore(%arg9 : memref<!tpu.dma_semaphore, #tpu.memory_space<semaphore_mem>>)
      %dma_wait3A_843 = arith.constant 0 : i32
      %dma_wait3A_844 = arith.constant 0 : i32
      %dma_wait3A_845 = arith.constant 0 : i32
      %dma_wait3A_846 = arith.constant 0 : i32
      %dma_wait3A_847 = tpu.memref_slice %arg6[%dma_wait3A_844, %dma_wait3A_845, %dma_wait3A_846] : memref<5x128x128xf32, #tpu.memory_space<vmem>> -> memref<1x128x128xf32, #tpu.memory_space<vmem>>
      %dma_wait3A_848 = tpu.memref_squeeze %dma_wait3A_847 : memref<1x128x128xf32, #tpu.memory_space<vmem>> -> memref<128x128xf32, #tpu.memory_space<vmem>>
      %dma_wait3A_849 = arith.constant 0 : i32
      %dma_wait3A_850 = tpu.memref_slice %arg5[%dma_wait3A_843, %dma_wait3A_849] : memref<50x128xi32, #tpu.memory_space<vmem>> -> memref<1x128xi32, #tpu.memory_space<vmem>>
      %dma_wait3A_851 = tpu.memref_squeeze %dma_wait3A_850 : memref<1x128xi32, #tpu.memory_space<vmem>> -> memref<128xi32, #tpu.memory_space<vmem>>
      %dma_wait3A_852 = arith.constant 0 : i32
      %dma_wait3A_853 = arith.constant 0 : i32
      %dma_wait3A_854 = tpu.memref_slice %arg3[%dma_wait3A_852, %dma_wait3A_853] : memref<100000x128xf32, #tpu.memory_space<hbm>> -> memref<100000x128xf32, #tpu.memory_space<hbm>>
      tpu.wait_indirect_dma semaphore(%arg7 : memref<!tpu.dma_semaphore, #tpu.memory_space<semaphore_mem>>) src(%dma_wait3A_854 : memref<100000x128xf32, #tpu.memory_space<hbm>>) dst(%dma_wait3A_848 : memref<128x128xf32, #tpu.memory_space<vmem>>)
      %dma_start3A_855 = arith.constant 0 : i32
      %dma_start3A_856 = arith.constant 0 : i32
      %dma_start3A_857 = arith.constant 0 : i32
      %dma_start3A_858 = tpu.memref_slice %arg6[%dma_start3A_855, %dma_start3A_856, %dma_start3A_857] : memref<5x128x128xf32, #tpu.memory_space<vmem>> -> memref<1x128x128xf32, #tpu.memory_space<vmem>>
      %dma_start3A_859 = tpu.memref_squeeze %dma_start3A_858 : memref<1x128x128xf32, #tpu.memory_space<vmem>> -> memref<128x128xf32, #tpu.memory_space<vmem>>
      %dma_start3A_860 = arith.constant 0 : i32
      %dma_start3A_861 = tpu.memref_slice %arg4[%add3A_790, %mul3A_2, %dma_start3A_860] : memref<50x4096x128xf32, #tpu.memory_space<hbm>> -> memref<1x128x128xf32, #tpu.memory_space<hbm>>
      %dma_start3A_862 = tpu.memref_squeeze %dma_start3A_861 : memref<1x128x128xf32, #tpu.memory_space<hbm>> -> memref<128x128xf32, #tpu.memory_space<hbm>>
      %dma_start3A_863 = arith.constant 0 : i32
      %dma_start3A_864 = tpu.memref_slice %arg4[%add3A_790, %mul3A_2, %dma_start3A_863] : memref<50x4096x128xf32, #tpu.memory_space<hbm>> -> memref<1x128x128xf32, #tpu.memory_space<hbm>>
      %dma_start3A_865 = tpu.memref_squeeze %dma_start3A_864 : memref<1x128x128xf32, #tpu.memory_space<hbm>> -> memref<128x128xf32, #tpu.memory_space<hbm>>
      %dma_start3A_866 = arith.constant 0 : i32
      %dma_start3A_867 = arith.constant 0 : i32
      %dma_start3A_868 = tpu.memref_slice %arg6[%dma_start3A_855, %dma_start3A_866, %dma_start3A_867] : memref<5x128x128xf32, #tpu.memory_space<vmem>> -> memref<1x128x128xf32, #tpu.memory_space<vmem>>
      %dma_start3A_869 = tpu.memref_squeeze %dma_start3A_868 : memref<1x128x128xf32, #tpu.memory_space<vmem>> -> memref<128x128xf32, #tpu.memory_space<vmem>>
      tpu.enqueue_dma source(%dma_start3A_869 : memref<128x128xf32, #tpu.memory_space<vmem>>) target(%dma_start3A_865 : memref<128x128xf32, #tpu.memory_space<hbm>>) target_semaphore(%arg12 : memref<!tpu.dma_semaphore, #tpu.memory_space<semaphore_mem>>)
      %mul3A_870 = arith.constant 5 : i32
      %mul3A_871 = arith.muli %scan3A_786, %mul3A_870 : i32
      %add3A_872 = arith.constant 1 : i32
      %add3A_873 = arith.addi %mul3A_871, %add3A_872 : i32
      %add3A_874 = arith.constant 2 : i32
      %add3A_875 = arith.addi %add3A_873, %add3A_874 : i32
      %sub3A_876 = arith.constant 5 : i32
      %sub3A_877 = arith.subi %add3A_875, %sub3A_876 : i32
      %dma_wait3A_878 = arith.constant 3 : i32
      %dma_wait3A_879 = arith.constant 0 : i32
      %dma_wait3A_880 = arith.constant 0 : i32
      %dma_wait3A_881 = tpu.memref_slice %arg6[%dma_wait3A_878, %dma_wait3A_879, %dma_wait3A_880] : memref<5x128x128xf32, #tpu.memory_space<vmem>> -> memref<1x128x128xf32, #tpu.memory_space<vmem>>
      %dma_wait3A_882 = tpu.memref_squeeze %dma_wait3A_881 : memref<1x128x128xf32, #tpu.memory_space<vmem>> -> memref<128x128xf32, #tpu.memory_space<vmem>>
      %dma_wait3A_883 = arith.constant 0 : i32
      %dma_wait3A_884 = tpu.memref_slice %arg4[%sub3A_877, %mul3A_2, %dma_wait3A_883] : memref<50x4096x128xf32, #tpu.memory_space<hbm>> -> memref<1x128x128xf32, #tpu.memory_space<hbm>>
      %dma_wait3A_885 = tpu.memref_squeeze %dma_wait3A_884 : memref<1x128x128xf32, #tpu.memory_space<hbm>> -> memref<128x128xf32, #tpu.memory_space<hbm>>
      %dma_wait3A_886 = arith.constant 0 : i32
      %dma_wait3A_887 = tpu.memref_slice %arg4[%sub3A_877, %mul3A_2, %dma_wait3A_886] : memref<50x4096x128xf32, #tpu.memory_space<hbm>> -> memref<1x128x128xf32, #tpu.memory_space<hbm>>
      %dma_wait3A_888 = tpu.memref_squeeze %dma_wait3A_887 : memref<1x128x128xf32, #tpu.memory_space<hbm>> -> memref<128x128xf32, #tpu.memory_space<hbm>>
      %dma_wait3A_889 = arith.constant 0 : i32
      %dma_wait3A_890 = arith.constant 0 : i32
      %dma_wait3A_891 = tpu.memref_slice %arg6[%dma_wait3A_878, %dma_wait3A_889, %dma_wait3A_890] : memref<5x128x128xf32, #tpu.memory_space<vmem>> -> memref<1x128x128xf32, #tpu.memory_space<vmem>>
      %dma_wait3A_892 = tpu.memref_squeeze %dma_wait3A_891 : memref<1x128x128xf32, #tpu.memory_space<vmem>> -> memref<128x128xf32, #tpu.memory_space<vmem>>
      tpu.wait_dma2 semaphore(%arg15 : memref<!tpu.dma_semaphore, #tpu.memory_space<semaphore_mem>>) src(%dma_wait3A_892 : memref<128x128xf32, #tpu.memory_space<vmem>>) dst(%dma_wait3A_888 : memref<128x128xf32, #tpu.memory_space<hbm>>)
      %add3A_893 = arith.constant 2 : i32
      %add3A_894 = arith.addi %add3A_873, %add3A_893 : i32
      %dma_start3A_895 = arith.constant 3 : i32
      %dma_start3A_896 = arith.constant 0 : i32
      %dma_start3A_897 = arith.constant 0 : i32
      %dma_start3A_898 = tpu.memref_slice %arg6[%dma_start3A_895, %dma_start3A_896, %dma_start3A_897] : memref<5x128x128xf32, #tpu.memory_space<vmem>> -> memref<1x128x128xf32, #tpu.memory_space<vmem>>
      %dma_start3A_899 = tpu.memref_squeeze %dma_start3A_898 : memref<1x128x128xf32, #tpu.memory_space<vmem>> -> memref<128x128xf32, #tpu.memory_space<vmem>>
      %dma_start3A_900 = arith.constant 0 : i32
      %dma_start3A_901 = arith.constant 0 : i32
      %dma_start3A_902 = tpu.memref_slice %dma_start3A_899[%dma_start3A_900, %dma_start3A_901] : memref<128x128xf32, #tpu.memory_space<vmem>> -> memref<64x128xf32, #tpu.memory_space<vmem>>
      %dma_start3A_903 = arith.constant 0 : i32
      %dma_start3A_904 = tpu.memref_slice %arg5[%add3A_894, %dma_start3A_903] : memref<50x128xi32, #tpu.memory_space<vmem>> -> memref<1x128xi32, #tpu.memory_space<vmem>>
      %dma_start3A_905 = tpu.memref_squeeze %dma_start3A_904 : memref<1x128xi32, #tpu.memory_space<vmem>> -> memref<128xi32, #tpu.memory_space<vmem>>
      %dma_start3A_906 = arith.constant 0 : i32
      %dma_start3A_907 = tpu.memref_slice %dma_start3A_905[%dma_start3A_906] : memref<128xi32, #tpu.memory_space<vmem>> -> memref<64xi32, #tpu.memory_space<vmem>>
      %dma_start3A_908 = arith.constant 0 : i32
      %dma_start3A_909 = arith.constant 0 : i32
      %dma_start3A_910 = tpu.memref_slice %arg3[%dma_start3A_908, %dma_start3A_909] : memref<100000x128xf32, #tpu.memory_space<hbm>> -> memref<100000x128xf32, #tpu.memory_space<hbm>>
      tpu.enqueue_indirect_dma source(%dma_start3A_910 : memref<100000x128xf32, #tpu.memory_space<hbm>>) target(%dma_start3A_902 : memref<64x128xf32, #tpu.memory_space<vmem>>) offsets(%dma_start3A_907 : memref<64xi32, #tpu.memory_space<vmem>>) semaphore(%arg10 : memref<!tpu.dma_semaphore, #tpu.memory_space<semaphore_mem>>)
      %dma_start3A_911 = arith.constant 3 : i32
      %dma_start3A_912 = arith.constant 0 : i32
      %dma_start3A_913 = arith.constant 0 : i32
      %dma_start3A_914 = tpu.memref_slice %arg6[%dma_start3A_911, %dma_start3A_912, %dma_start3A_913] : memref<5x128x128xf32, #tpu.memory_space<vmem>> -> memref<1x128x128xf32, #tpu.memory_space<vmem>>
      %dma_start3A_915 = tpu.memref_squeeze %dma_start3A_914 : memref<1x128x128xf32, #tpu.memory_space<vmem>> -> memref<128x128xf32, #tpu.memory_space<vmem>>
      %dma_start3A_916 = arith.constant 64 : i32
      %dma_start3A_917 = arith.constant 0 : i32
      %dma_start3A_918 = tpu.memref_slice %dma_start3A_915[%dma_start3A_916, %dma_start3A_917] : memref<128x128xf32, #tpu.memory_space<vmem>> -> memref<64x128xf32, #tpu.memory_space<vmem>>
      %dma_start3A_919 = arith.constant 0 : i32
      %dma_start3A_920 = tpu.memref_slice %arg5[%add3A_894, %dma_start3A_919] : memref<50x128xi32, #tpu.memory_space<vmem>> -> memref<1x128xi32, #tpu.memory_space<vmem>>
      %dma_start3A_921 = tpu.memref_squeeze %dma_start3A_920 : memref<1x128xi32, #tpu.memory_space<vmem>> -> memref<128xi32, #tpu.memory_space<vmem>>
      %dma_start3A_922 = arith.constant 64 : i32
      %dma_start3A_923 = tpu.memref_slice %dma_start3A_921[%dma_start3A_922] : memref<128xi32, #tpu.memory_space<vmem>> -> memref<64xi32, #tpu.memory_space<vmem>>
      %dma_start3A_924 = arith.constant 0 : i32
      %dma_start3A_925 = arith.constant 0 : i32
      %dma_start3A_926 = tpu.memref_slice %arg3[%dma_start3A_924, %dma_start3A_925] : memref<100000x128xf32, #tpu.memory_space<hbm>> -> memref<100000x128xf32, #tpu.memory_space<hbm>>
      tpu.enqueue_indirect_dma source(%dma_start3A_926 : memref<100000x128xf32, #tpu.memory_space<hbm>>) target(%dma_start3A_918 : memref<64x128xf32, #tpu.memory_space<vmem>>) offsets(%dma_start3A_923 : memref<64xi32, #tpu.memory_space<vmem>>) semaphore(%arg10 : memref<!tpu.dma_semaphore, #tpu.memory_space<semaphore_mem>>)
      %dma_wait3A_927 = arith.constant 0 : i32
      %dma_wait3A_928 = arith.constant 1 : i32
      %dma_wait3A_929 = arith.constant 0 : i32
      %dma_wait3A_930 = arith.constant 0 : i32
      %dma_wait3A_931 = tpu.memref_slice %arg6[%dma_wait3A_928, %dma_wait3A_929, %dma_wait3A_930] : memref<5x128x128xf32, #tpu.memory_space<vmem>> -> memref<1x128x128xf32, #tpu.memory_space<vmem>>
      %dma_wait3A_932 = tpu.memref_squeeze %dma_wait3A_931 : memref<1x128x128xf32, #tpu.memory_space<vmem>> -> memref<128x128xf32, #tpu.memory_space<vmem>>
      %dma_wait3A_933 = arith.constant 0 : i32
      %dma_wait3A_934 = tpu.memref_slice %arg5[%dma_wait3A_927, %dma_wait3A_933] : memref<50x128xi32, #tpu.memory_space<vmem>> -> memref<1x128xi32, #tpu.memory_space<vmem>>
      %dma_wait3A_935 = tpu.memref_squeeze %dma_wait3A_934 : memref<1x128xi32, #tpu.memory_space<vmem>> -> memref<128xi32, #tpu.memory_space<vmem>>
      %dma_wait3A_936 = arith.constant 0 : i32
      %dma_wait3A_937 = arith.constant 0 : i32
      %dma_wait3A_938 = tpu.memref_slice %arg3[%dma_wait3A_936, %dma_wait3A_937] : memref<100000x128xf32, #tpu.memory_space<hbm>> -> memref<100000x128xf32, #tpu.memory_space<hbm>>
      tpu.wait_indirect_dma semaphore(%arg8 : memref<!tpu.dma_semaphore, #tpu.memory_space<semaphore_mem>>) src(%dma_wait3A_938 : memref<100000x128xf32, #tpu.memory_space<hbm>>) dst(%dma_wait3A_932 : memref<128x128xf32, #tpu.memory_space<vmem>>)
      %dma_start3A_939 = arith.constant 1 : i32
      %dma_start3A_940 = arith.constant 0 : i32
      %dma_start3A_941 = arith.constant 0 : i32
      %dma_start3A_942 = tpu.memref_slice %arg6[%dma_start3A_939, %dma_start3A_940, %dma_start3A_941] : memref<5x128x128xf32, #tpu.memory_space<vmem>> -> memref<1x128x128xf32, #tpu.memory_space<vmem>>
      %dma_start3A_943 = tpu.memref_squeeze %dma_start3A_942 : memref<1x128x128xf32, #tpu.memory_space<vmem>> -> memref<128x128xf32, #tpu.memory_space<vmem>>
      %dma_start3A_944 = arith.constant 0 : i32
      %dma_start3A_945 = tpu.memref_slice %arg4[%add3A_873, %mul3A_2, %dma_start3A_944] : memref<50x4096x128xf32, #tpu.memory_space<hbm>> -> memref<1x128x128xf32, #tpu.memory_space<hbm>>
      %dma_start3A_946 = tpu.memref_squeeze %dma_start3A_945 : memref<1x128x128xf32, #tpu.memory_space<hbm>> -> memref<128x128xf32, #tpu.memory_space<hbm>>
      %dma_start3A_947 = arith.constant 0 : i32
      %dma_start3A_948 = tpu.memref_slice %arg4[%add3A_873, %mul3A_2, %dma_start3A_947] : memref<50x4096x128xf32, #tpu.memory_space<hbm>> -> memref<1x128x128xf32, #tpu.memory_space<hbm>>
      %dma_start3A_949 = tpu.memref_squeeze %dma_start3A_948 : memref<1x128x128xf32, #tpu.memory_space<hbm>> -> memref<128x128xf32, #tpu.memory_space<hbm>>
      %dma_start3A_950 = arith.constant 0 : i32
      %dma_start3A_951 = arith.constant 0 : i32
      %dma_start3A_952 = tpu.memref_slice %arg6[%dma_start3A_939, %dma_start3A_950, %dma_start3A_951] : memref<5x128x128xf32, #tpu.memory_space<vmem>> -> memref<1x128x128xf32, #tpu.memory_space<vmem>>
      %dma_start3A_953 = tpu.memref_squeeze %dma_start3A_952 : memref<1x128x128xf32, #tpu.memory_space<vmem>> -> memref<128x128xf32, #tpu.memory_space<vmem>>
      tpu.enqueue_dma source(%dma_start3A_953 : memref<128x128xf32, #tpu.memory_space<vmem>>) target(%dma_start3A_949 : memref<128x128xf32, #tpu.memory_space<hbm>>) target_semaphore(%arg13 : memref<!tpu.dma_semaphore, #tpu.memory_space<semaphore_mem>>)
      %mul3A_954 = arith.constant 5 : i32
      %mul3A_955 = arith.muli %scan3A_786, %mul3A_954 : i32
      %add3A_956 = arith.constant 2 : i32
      %add3A_957 = arith.addi %mul3A_955, %add3A_956 : i32
      %add3A_958 = arith.constant 2 : i32
      %add3A_959 = arith.addi %add3A_957, %add3A_958 : i32
      %sub3A_960 = arith.constant 5 : i32
      %sub3A_961 = arith.subi %add3A_959, %sub3A_960 : i32
      %dma_wait3A_962 = arith.constant 4 : i32
      %dma_wait3A_963 = arith.constant 0 : i32
      %dma_wait3A_964 = arith.constant 0 : i32
      %dma_wait3A_965 = tpu.memref_slice %arg6[%dma_wait3A_962, %dma_wait3A_963, %dma_wait3A_964] : memref<5x128x128xf32, #tpu.memory_space<vmem>> -> memref<1x128x128xf32, #tpu.memory_space<vmem>>
      %dma_wait3A_966 = tpu.memref_squeeze %dma_wait3A_965 : memref<1x128x128xf32, #tpu.memory_space<vmem>> -> memref<128x128xf32, #tpu.memory_space<vmem>>
      %dma_wait3A_967 = arith.constant 0 : i32
      %dma_wait3A_968 = tpu.memref_slice %arg4[%sub3A_961, %mul3A_2, %dma_wait3A_967] : memref<50x4096x128xf32, #tpu.memory_space<hbm>> -> memref<1x128x128xf32, #tpu.memory_space<hbm>>
      %dma_wait3A_969 = tpu.memref_squeeze %dma_wait3A_968 : memref<1x128x128xf32, #tpu.memory_space<hbm>> -> memref<128x128xf32, #tpu.memory_space<hbm>>
      %dma_wait3A_970 = arith.constant 0 : i32
      %dma_wait3A_971 = tpu.memref_slice %arg4[%sub3A_961, %mul3A_2, %dma_wait3A_970] : memref<50x4096x128xf32, #tpu.memory_space<hbm>> -> memref<1x128x128xf32, #tpu.memory_space<hbm>>
      %dma_wait3A_972 = tpu.memref_squeeze %dma_wait3A_971 : memref<1x128x128xf32, #tpu.memory_space<hbm>> -> memref<128x128xf32, #tpu.memory_space<hbm>>
      %dma_wait3A_973 = arith.constant 0 : i32
      %dma_wait3A_974 = arith.constant 0 : i32
      %dma_wait3A_975 = tpu.memref_slice %arg6[%dma_wait3A_962, %dma_wait3A_973, %dma_wait3A_974] : memref<5x128x128xf32, #tpu.memory_space<vmem>> -> memref<1x128x128xf32, #tpu.memory_space<vmem>>
      %dma_wait3A_976 = tpu.memref_squeeze %dma_wait3A_975 : memref<1x128x128xf32, #tpu.memory_space<vmem>> -> memref<128x128xf32, #tpu.memory_space<vmem>>
      tpu.wait_dma2 semaphore(%arg16 : memref<!tpu.dma_semaphore, #tpu.memory_space<semaphore_mem>>) src(%dma_wait3A_976 : memref<128x128xf32, #tpu.memory_space<vmem>>) dst(%dma_wait3A_972 : memref<128x128xf32, #tpu.memory_space<hbm>>)
      %add3A_977 = arith.constant 2 : i32
      %add3A_978 = arith.addi %add3A_957, %add3A_977 : i32
      %dma_start3A_979 = arith.constant 4 : i32
      %dma_start3A_980 = arith.constant 0 : i32
      %dma_start3A_981 = arith.constant 0 : i32
      %dma_start3A_982 = tpu.memref_slice %arg6[%dma_start3A_979, %dma_start3A_980, %dma_start3A_981] : memref<5x128x128xf32, #tpu.memory_space<vmem>> -> memref<1x128x128xf32, #tpu.memory_space<vmem>>
      %dma_start3A_983 = tpu.memref_squeeze %dma_start3A_982 : memref<1x128x128xf32, #tpu.memory_space<vmem>> -> memref<128x128xf32, #tpu.memory_space<vmem>>
      %dma_start3A_984 = arith.constant 0 : i32
      %dma_start3A_985 = arith.constant 0 : i32
      %dma_start3A_986 = tpu.memref_slice %dma_start3A_983[%dma_start3A_984, %dma_start3A_985] : memref<128x128xf32, #tpu.memory_space<vmem>> -> memref<64x128xf32, #tpu.memory_space<vmem>>
      %dma_start3A_987 = arith.constant 0 : i32
      %dma_start3A_988 = tpu.memref_slice %arg5[%add3A_978, %dma_start3A_987] : memref<50x128xi32, #tpu.memory_space<vmem>> -> memref<1x128xi32, #tpu.memory_space<vmem>>
      %dma_start3A_989 = tpu.memref_squeeze %dma_start3A_988 : memref<1x128xi32, #tpu.memory_space<vmem>> -> memref<128xi32, #tpu.memory_space<vmem>>
      %dma_start3A_990 = arith.constant 0 : i32
      %dma_start3A_991 = tpu.memref_slice %dma_start3A_989[%dma_start3A_990] : memref<128xi32, #tpu.memory_space<vmem>> -> memref<64xi32, #tpu.memory_space<vmem>>
      %dma_start3A_992 = arith.constant 0 : i32
      %dma_start3A_993 = arith.constant 0 : i32
      %dma_start3A_994 = tpu.memref_slice %arg3[%dma_start3A_992, %dma_start3A_993] : memref<100000x128xf32, #tpu.memory_space<hbm>> -> memref<100000x128xf32, #tpu.memory_space<hbm>>
      tpu.enqueue_indirect_dma source(%dma_start3A_994 : memref<100000x128xf32, #tpu.memory_space<hbm>>) target(%dma_start3A_986 : memref<64x128xf32, #tpu.memory_space<vmem>>) offsets(%dma_start3A_991 : memref<64xi32, #tpu.memory_space<vmem>>) semaphore(%arg11 : memref<!tpu.dma_semaphore, #tpu.memory_space<semaphore_mem>>)
      %dma_start3A_995 = arith.constant 4 : i32
      %dma_start3A_996 = arith.constant 0 : i32
      %dma_start3A_997 = arith.constant 0 : i32
      %dma_start3A_998 = tpu.memref_slice %arg6[%dma_start3A_995, %dma_start3A_996, %dma_start3A_997] : memref<5x128x128xf32, #tpu.memory_space<vmem>> -> memref<1x128x128xf32, #tpu.memory_space<vmem>>
      %dma_start3A_999 = tpu.memref_squeeze %dma_start3A_998 : memref<1x128x128xf32, #tpu.memory_space<vmem>> -> memref<128x128xf32, #tpu.memory_space<vmem>>
      %dma_start3A_1000 = arith.constant 64 : i32
      %dma_start3A_1001 = arith.constant 0 : i32
      %dma_start3A_1002 = tpu.memref_slice %dma_start3A_999[%dma_start3A_1000, %dma_start3A_1001] : memref<128x128xf32, #tpu.memory_space<vmem>> -> memref<64x128xf32, #tpu.memory_space<vmem>>
      %dma_start3A_1003 = arith.constant 0 : i32
      %dma_start3A_1004 = tpu.memref_slice %arg5[%add3A_978, %dma_start3A_1003] : memref<50x128xi32, #tpu.memory_space<vmem>> -> memref<1x128xi32, #tpu.memory_space<vmem>>
      %dma_start3A_1005 = tpu.memref_squeeze %dma_start3A_1004 : memref<1x128xi32, #tpu.memory_space<vmem>> -> memref<128xi32, #tpu.memory_space<vmem>>
      %dma_start3A_1006 = arith.constant 64 : i32
      %dma_start3A_1007 = tpu.memref_slice %dma_start3A_1005[%dma_start3A_1006] : memref<128xi32, #tpu.memory_space<vmem>> -> memref<64xi32, #tpu.memory_space<vmem>>
      %dma_start3A_1008 = arith.constant 0 : i32
      %dma_start3A_1009 = arith.constant 0 : i32
      %dma_start3A_1010 = tpu.memref_slice %arg3[%dma_start3A_1008, %dma_start3A_1009] : memref<100000x128xf32, #tpu.memory_space<hbm>> -> memref<100000x128xf32, #tpu.memory_space<hbm>>
      tpu.enqueue_indirect_dma source(%dma_start3A_1010 : memref<100000x128xf32, #tpu.memory_space<hbm>>) target(%dma_start3A_1002 : memref<64x128xf32, #tpu.memory_space<vmem>>) offsets(%dma_start3A_1007 : memref<64xi32, #tpu.memory_space<vmem>>) semaphore(%arg11 : memref<!tpu.dma_semaphore, #tpu.memory_space<semaphore_mem>>)
      %dma_wait3A_1011 = arith.constant 0 : i32
      %dma_wait3A_1012 = arith.constant 2 : i32
      %dma_wait3A_1013 = arith.constant 0 : i32
      %dma_wait3A_1014 = arith.constant 0 : i32
      %dma_wait3A_1015 = tpu.memref_slice %arg6[%dma_wait3A_1012, %dma_wait3A_1013, %dma_wait3A_1014] : memref<5x128x128xf32, #tpu.memory_space<vmem>> -> memref<1x128x128xf32, #tpu.memory_space<vmem>>
      %dma_wait3A_1016 = tpu.memref_squeeze %dma_wait3A_1015 : memref<1x128x128xf32, #tpu.memory_space<vmem>> -> memref<128x128xf32, #tpu.memory_space<vmem>>
      %dma_wait3A_1017 = arith.constant 0 : i32
      %dma_wait3A_1018 = tpu.memref_slice %arg5[%dma_wait3A_1011, %dma_wait3A_1017] : memref<50x128xi32, #tpu.memory_space<vmem>> -> memref<1x128xi32, #tpu.memory_space<vmem>>
      %dma_wait3A_1019 = tpu.memref_squeeze %dma_wait3A_1018 : memref<1x128xi32, #tpu.memory_space<vmem>> -> memref<128xi32, #tpu.memory_space<vmem>>
      %dma_wait3A_1020 = arith.constant 0 : i32
      %dma_wait3A_1021 = arith.constant 0 : i32
      %dma_wait3A_1022 = tpu.memref_slice %arg3[%dma_wait3A_1020, %dma_wait3A_1021] : memref<100000x128xf32, #tpu.memory_space<hbm>> -> memref<100000x128xf32, #tpu.memory_space<hbm>>
      tpu.wait_indirect_dma semaphore(%arg9 : memref<!tpu.dma_semaphore, #tpu.memory_space<semaphore_mem>>) src(%dma_wait3A_1022 : memref<100000x128xf32, #tpu.memory_space<hbm>>) dst(%dma_wait3A_1016 : memref<128x128xf32, #tpu.memory_space<vmem>>)
      %dma_start3A_1023 = arith.constant 2 : i32
      %dma_start3A_1024 = arith.constant 0 : i32
      %dma_start3A_1025 = arith.constant 0 : i32
      %dma_start3A_1026 = tpu.memref_slice %arg6[%dma_start3A_1023, %dma_start3A_1024, %dma_start3A_1025] : memref<5x128x128xf32, #tpu.memory_space<vmem>> -> memref<1x128x128xf32, #tpu.memory_space<vmem>>
      %dma_start3A_1027 = tpu.memref_squeeze %dma_start3A_1026 : memref<1x128x128xf32, #tpu.memory_space<vmem>> -> memref<128x128xf32, #tpu.memory_space<vmem>>
      %dma_start3A_1028 = arith.constant 0 : i32
      %dma_start3A_1029 = tpu.memref_slice %arg4[%add3A_957, %mul3A_2, %dma_start3A_1028] : memref<50x4096x128xf32, #tpu.memory_space<hbm>> -> memref<1x128x128xf32, #tpu.memory_space<hbm>>
      %dma_start3A_1030 = tpu.memref_squeeze %dma_start3A_1029 : memref<1x128x128xf32, #tpu.memory_space<hbm>> -> memref<128x128xf32, #tpu.memory_space<hbm>>
      %dma_start3A_1031 = arith.constant 0 : i32
      %dma_start3A_1032 = tpu.memref_slice %arg4[%add3A_957, %mul3A_2, %dma_start3A_1031] : memref<50x4096x128xf32, #tpu.memory_space<hbm>> -> memref<1x128x128xf32, #tpu.memory_space<hbm>>
      %dma_start3A_1033 = tpu.memref_squeeze %dma_start3A_1032 : memref<1x128x128xf32, #tpu.memory_space<hbm>> -> memref<128x128xf32, #tpu.memory_space<hbm>>
      %dma_start3A_1034 = arith.constant 0 : i32
      %dma_start3A_1035 = arith.constant 0 : i32
      %dma_start3A_1036 = tpu.memref_slice %arg6[%dma_start3A_1023, %dma_start3A_1034, %dma_start3A_1035] : memref<5x128x128xf32, #tpu.memory_space<vmem>> -> memref<1x128x128xf32, #tpu.memory_space<vmem>>
      %dma_start3A_1037 = tpu.memref_squeeze %dma_start3A_1036 : memref<1x128x128xf32, #tpu.memory_space<vmem>> -> memref<128x128xf32, #tpu.memory_space<vmem>>
      tpu.enqueue_dma source(%dma_start3A_1037 : memref<128x128xf32, #tpu.memory_space<vmem>>) target(%dma_start3A_1033 : memref<128x128xf32, #tpu.memory_space<hbm>>) target_semaphore(%arg14 : memref<!tpu.dma_semaphore, #tpu.memory_space<semaphore_mem>>)
      %mul3A_1038 = arith.constant 5 : i32
      %mul3A_1039 = arith.muli %scan3A_786, %mul3A_1038 : i32
      %add3A_1040 = arith.constant 3 : i32
      %add3A_1041 = arith.addi %mul3A_1039, %add3A_1040 : i32
      %add3A_1042 = arith.constant 2 : i32
      %add3A_1043 = arith.addi %add3A_1041, %add3A_1042 : i32
      %sub3A_1044 = arith.constant 5 : i32
      %sub3A_1045 = arith.subi %add3A_1043, %sub3A_1044 : i32
      %dma_wait3A_1046 = arith.constant 0 : i32
      %dma_wait3A_1047 = arith.constant 0 : i32
      %dma_wait3A_1048 = arith.constant 0 : i32
      %dma_wait3A_1049 = tpu.memref_slice %arg6[%dma_wait3A_1046, %dma_wait3A_1047, %dma_wait3A_1048] : memref<5x128x128xf32, #tpu.memory_space<vmem>> -> memref<1x128x128xf32, #tpu.memory_space<vmem>>
      %dma_wait3A_1050 = tpu.memref_squeeze %dma_wait3A_1049 : memref<1x128x128xf32, #tpu.memory_space<vmem>> -> memref<128x128xf32, #tpu.memory_space<vmem>>
      %dma_wait3A_1051 = arith.constant 0 : i32
      %dma_wait3A_1052 = tpu.memref_slice %arg4[%sub3A_1045, %mul3A_2, %dma_wait3A_1051] : memref<50x4096x128xf32, #tpu.memory_space<hbm>> -> memref<1x128x128xf32, #tpu.memory_space<hbm>>
      %dma_wait3A_1053 = tpu.memref_squeeze %dma_wait3A_1052 : memref<1x128x128xf32, #tpu.memory_space<hbm>> -> memref<128x128xf32, #tpu.memory_space<hbm>>
      %dma_wait3A_1054 = arith.constant 0 : i32
      %dma_wait3A_1055 = tpu.memref_slice %arg4[%sub3A_1045, %mul3A_2, %dma_wait3A_1054] : memref<50x4096x128xf32, #tpu.memory_space<hbm>> -> memref<1x128x128xf32, #tpu.memory_space<hbm>>
      %dma_wait3A_1056 = tpu.memref_squeeze %dma_wait3A_1055 : memref<1x128x128xf32, #tpu.memory_space<hbm>> -> memref<128x128xf32, #tpu.memory_space<hbm>>
      %dma_wait3A_1057 = arith.constant 0 : i32
      %dma_wait3A_1058 = arith.constant 0 : i32
      %dma_wait3A_1059 = tpu.memref_slice %arg6[%dma_wait3A_1046, %dma_wait3A_1057, %dma_wait3A_1058] : memref<5x128x128xf32, #tpu.memory_space<vmem>> -> memref<1x128x128xf32, #tpu.memory_space<vmem>>
      %dma_wait3A_1060 = tpu.memref_squeeze %dma_wait3A_1059 : memref<1x128x128xf32, #tpu.memory_space<vmem>> -> memref<128x128xf32, #tpu.memory_space<vmem>>
      tpu.wait_dma2 semaphore(%arg12 : memref<!tpu.dma_semaphore, #tpu.memory_space<semaphore_mem>>) src(%dma_wait3A_1060 : memref<128x128xf32, #tpu.memory_space<vmem>>) dst(%dma_wait3A_1056 : memref<128x128xf32, #tpu.memory_space<hbm>>)
      %add3A_1061 = arith.constant 2 : i32
      %add3A_1062 = arith.addi %add3A_1041, %add3A_1061 : i32
      %dma_start3A_1063 = arith.constant 0 : i32
      %dma_start3A_1064 = arith.constant 0 : i32
      %dma_start3A_1065 = arith.constant 0 : i32
      %dma_start3A_1066 = tpu.memref_slice %arg6[%dma_start3A_1063, %dma_start3A_1064, %dma_start3A_1065] : memref<5x128x128xf32, #tpu.memory_space<vmem>> -> memref<1x128x128xf32, #tpu.memory_space<vmem>>
      %dma_start3A_1067 = tpu.memref_squeeze %dma_start3A_1066 : memref<1x128x128xf32, #tpu.memory_space<vmem>> -> memref<128x128xf32, #tpu.memory_space<vmem>>
      %dma_start3A_1068 = arith.constant 0 : i32
      %dma_start3A_1069 = arith.constant 0 : i32
      %dma_start3A_1070 = tpu.memref_slice %dma_start3A_1067[%dma_start3A_1068, %dma_start3A_1069] : memref<128x128xf32, #tpu.memory_space<vmem>> -> memref<64x128xf32, #tpu.memory_space<vmem>>
      %dma_start3A_1071 = arith.constant 0 : i32
      %dma_start3A_1072 = tpu.memref_slice %arg5[%add3A_1062, %dma_start3A_1071] : memref<50x128xi32, #tpu.memory_space<vmem>> -> memref<1x128xi32, #tpu.memory_space<vmem>>
      %dma_start3A_1073 = tpu.memref_squeeze %dma_start3A_1072 : memref<1x128xi32, #tpu.memory_space<vmem>> -> memref<128xi32, #tpu.memory_space<vmem>>
      %dma_start3A_1074 = arith.constant 0 : i32
      %dma_start3A_1075 = tpu.memref_slice %dma_start3A_1073[%dma_start3A_1074] : memref<128xi32, #tpu.memory_space<vmem>> -> memref<64xi32, #tpu.memory_space<vmem>>
      %dma_start3A_1076 = arith.constant 0 : i32
      %dma_start3A_1077 = arith.constant 0 : i32
      %dma_start3A_1078 = tpu.memref_slice %arg3[%dma_start3A_1076, %dma_start3A_1077] : memref<100000x128xf32, #tpu.memory_space<hbm>> -> memref<100000x128xf32, #tpu.memory_space<hbm>>
      tpu.enqueue_indirect_dma source(%dma_start3A_1078 : memref<100000x128xf32, #tpu.memory_space<hbm>>) target(%dma_start3A_1070 : memref<64x128xf32, #tpu.memory_space<vmem>>) offsets(%dma_start3A_1075 : memref<64xi32, #tpu.memory_space<vmem>>) semaphore(%arg7 : memref<!tpu.dma_semaphore, #tpu.memory_space<semaphore_mem>>)
      %dma_start3A_1079 = arith.constant 0 : i32
      %dma_start3A_1080 = arith.constant 0 : i32
      %dma_start3A_1081 = arith.constant 0 : i32
      %dma_start3A_1082 = tpu.memref_slice %arg6[%dma_start3A_1079, %dma_start3A_1080, %dma_start3A_1081] : memref<5x128x128xf32, #tpu.memory_space<vmem>> -> memref<1x128x128xf32, #tpu.memory_space<vmem>>
      %dma_start3A_1083 = tpu.memref_squeeze %dma_start3A_1082 : memref<1x128x128xf32, #tpu.memory_space<vmem>> -> memref<128x128xf32, #tpu.memory_space<vmem>>
      %dma_start3A_1084 = arith.constant 64 : i32
      %dma_start3A_1085 = arith.constant 0 : i32
      %dma_start3A_1086 = tpu.memref_slice %dma_start3A_1083[%dma_start3A_1084, %dma_start3A_1085] : memref<128x128xf32, #tpu.memory_space<vmem>> -> memref<64x128xf32, #tpu.memory_space<vmem>>
      %dma_start3A_1087 = arith.constant 0 : i32
      %dma_start3A_1088 = tpu.memref_slice %arg5[%add3A_1062, %dma_start3A_1087] : memref<50x128xi32, #tpu.memory_space<vmem>> -> memref<1x128xi32, #tpu.memory_space<vmem>>
      %dma_start3A_1089 = tpu.memref_squeeze %dma_start3A_1088 : memref<1x128xi32, #tpu.memory_space<vmem>> -> memref<128xi32, #tpu.memory_space<vmem>>
      %dma_start3A_1090 = arith.constant 64 : i32
      %dma_start3A_1091 = tpu.memref_slice %dma_start3A_1089[%dma_start3A_1090] : memref<128xi32, #tpu.memory_space<vmem>> -> memref<64xi32, #tpu.memory_space<vmem>>
      %dma_start3A_1092 = arith.constant 0 : i32
      %dma_start3A_1093 = arith.constant 0 : i32
      %dma_start3A_1094 = tpu.memref_slice %arg3[%dma_start3A_1092, %dma_start3A_1093] : memref<100000x128xf32, #tpu.memory_space<hbm>> -> memref<100000x128xf32, #tpu.memory_space<hbm>>
      tpu.enqueue_indirect_dma source(%dma_start3A_1094 : memref<100000x128xf32, #tpu.memory_space<hbm>>) target(%dma_start3A_1086 : memref<64x128xf32, #tpu.memory_space<vmem>>) offsets(%dma_start3A_1091 : memref<64xi32, #tpu.memory_space<vmem>>) semaphore(%arg7 : memref<!tpu.dma_semaphore, #tpu.memory_space<semaphore_mem>>)
      %dma_wait3A_1095 = arith.constant 0 : i32
      %dma_wait3A_1096 = arith.constant 3 : i32
      %dma_wait3A_1097 = arith.constant 0 : i32
      %dma_wait3A_1098 = arith.constant 0 : i32
      %dma_wait3A_1099 = tpu.memref_slice %arg6[%dma_wait3A_1096, %dma_wait3A_1097, %dma_wait3A_1098] : memref<5x128x128xf32, #tpu.memory_space<vmem>> -> memref<1x128x128xf32, #tpu.memory_space<vmem>>
      %dma_wait3A_1100 = tpu.memref_squeeze %dma_wait3A_1099 : memref<1x128x128xf32, #tpu.memory_space<vmem>> -> memref<128x128xf32, #tpu.memory_space<vmem>>
      %dma_wait3A_1101 = arith.constant 0 : i32
      %dma_wait3A_1102 = tpu.memref_slice %arg5[%dma_wait3A_1095, %dma_wait3A_1101] : memref<50x128xi32, #tpu.memory_space<vmem>> -> memref<1x128xi32, #tpu.memory_space<vmem>>
      %dma_wait3A_1103 = tpu.memref_squeeze %dma_wait3A_1102 : memref<1x128xi32, #tpu.memory_space<vmem>> -> memref<128xi32, #tpu.memory_space<vmem>>
      %dma_wait3A_1104 = arith.constant 0 : i32
      %dma_wait3A_1105 = arith.constant 0 : i32
      %dma_wait3A_1106 = tpu.memref_slice %arg3[%dma_wait3A_1104, %dma_wait3A_1105] : memref<100000x128xf32, #tpu.memory_space<hbm>> -> memref<100000x128xf32, #tpu.memory_space<hbm>>
      tpu.wait_indirect_dma semaphore(%arg10 : memref<!tpu.dma_semaphore, #tpu.memory_space<semaphore_mem>>) src(%dma_wait3A_1106 : memref<100000x128xf32, #tpu.memory_space<hbm>>) dst(%dma_wait3A_1100 : memref<128x128xf32, #tpu.memory_space<vmem>>)
      %dma_start3A_1107 = arith.constant 3 : i32
      %dma_start3A_1108 = arith.constant 0 : i32
      %dma_start3A_1109 = arith.constant 0 : i32
      %dma_start3A_1110 = tpu.memref_slice %arg6[%dma_start3A_1107, %dma_start3A_1108, %dma_start3A_1109] : memref<5x128x128xf32, #tpu.memory_space<vmem>> -> memref<1x128x128xf32, #tpu.memory_space<vmem>>
      %dma_start3A_1111 = tpu.memref_squeeze %dma_start3A_1110 : memref<1x128x128xf32, #tpu.memory_space<vmem>> -> memref<128x128xf32, #tpu.memory_space<vmem>>
      %dma_start3A_1112 = arith.constant 0 : i32
      %dma_start3A_1113 = tpu.memref_slice %arg4[%add3A_1041, %mul3A_2, %dma_start3A_1112] : memref<50x4096x128xf32, #tpu.memory_space<hbm>> -> memref<1x128x128xf32, #tpu.memory_space<hbm>>
      %dma_start3A_1114 = tpu.memref_squeeze %dma_start3A_1113 : memref<1x128x128xf32, #tpu.memory_space<hbm>> -> memref<128x128xf32, #tpu.memory_space<hbm>>
      %dma_start3A_1115 = arith.constant 0 : i32
      %dma_start3A_1116 = tpu.memref_slice %arg4[%add3A_1041, %mul3A_2, %dma_start3A_1115] : memref<50x4096x128xf32, #tpu.memory_space<hbm>> -> memref<1x128x128xf32, #tpu.memory_space<hbm>>
      %dma_start3A_1117 = tpu.memref_squeeze %dma_start3A_1116 : memref<1x128x128xf32, #tpu.memory_space<hbm>> -> memref<128x128xf32, #tpu.memory_space<hbm>>
      %dma_start3A_1118 = arith.constant 0 : i32
      %dma_start3A_1119 = arith.constant 0 : i32
      %dma_start3A_1120 = tpu.memref_slice %arg6[%dma_start3A_1107, %dma_start3A_1118, %dma_start3A_1119] : memref<5x128x128xf32, #tpu.memory_space<vmem>> -> memref<1x128x128xf32, #tpu.memory_space<vmem>>
      %dma_start3A_1121 = tpu.memref_squeeze %dma_start3A_1120 : memref<1x128x128xf32, #tpu.memory_space<vmem>> -> memref<128x128xf32, #tpu.memory_space<vmem>>
      tpu.enqueue_dma source(%dma_start3A_1121 : memref<128x128xf32, #tpu.memory_space<vmem>>) target(%dma_start3A_1117 : memref<128x128xf32, #tpu.memory_space<hbm>>) target_semaphore(%arg15 : memref<!tpu.dma_semaphore, #tpu.memory_space<semaphore_mem>>)
      %mul3A_1122 = arith.constant 5 : i32
      %mul3A_1123 = arith.muli %scan3A_786, %mul3A_1122 : i32
      %add3A_1124 = arith.constant 4 : i32
      %add3A_1125 = arith.addi %mul3A_1123, %add3A_1124 : i32
      %add3A_1126 = arith.constant 2 : i32
      %add3A_1127 = arith.addi %add3A_1125, %add3A_1126 : i32
      %sub3A_1128 = arith.constant 5 : i32
      %sub3A_1129 = arith.subi %add3A_1127, %sub3A_1128 : i32
      %dma_wait3A_1130 = arith.constant 1 : i32
      %dma_wait3A_1131 = arith.constant 0 : i32
      %dma_wait3A_1132 = arith.constant 0 : i32
      %dma_wait3A_1133 = tpu.memref_slice %arg6[%dma_wait3A_1130, %dma_wait3A_1131, %dma_wait3A_1132] : memref<5x128x128xf32, #tpu.memory_space<vmem>> -> memref<1x128x128xf32, #tpu.memory_space<vmem>>
      %dma_wait3A_1134 = tpu.memref_squeeze %dma_wait3A_1133 : memref<1x128x128xf32, #tpu.memory_space<vmem>> -> memref<128x128xf32, #tpu.memory_space<vmem>>
      %dma_wait3A_1135 = arith.constant 0 : i32
      %dma_wait3A_1136 = tpu.memref_slice %arg4[%sub3A_1129, %mul3A_2, %dma_wait3A_1135] : memref<50x4096x128xf32, #tpu.memory_space<hbm>> -> memref<1x128x128xf32, #tpu.memory_space<hbm>>
      %dma_wait3A_1137 = tpu.memref_squeeze %dma_wait3A_1136 : memref<1x128x128xf32, #tpu.memory_space<hbm>> -> memref<128x128xf32, #tpu.memory_space<hbm>>
      %dma_wait3A_1138 = arith.constant 0 : i32
      %dma_wait3A_1139 = tpu.memref_slice %arg4[%sub3A_1129, %mul3A_2, %dma_wait3A_1138] : memref<50x4096x128xf32, #tpu.memory_space<hbm>> -> memref<1x128x128xf32, #tpu.memory_space<hbm>>
      %dma_wait3A_1140 = tpu.memref_squeeze %dma_wait3A_1139 : memref<1x128x128xf32, #tpu.memory_space<hbm>> -> memref<128x128xf32, #tpu.memory_space<hbm>>
      %dma_wait3A_1141 = arith.constant 0 : i32
      %dma_wait3A_1142 = arith.constant 0 : i32
      %dma_wait3A_1143 = tpu.memref_slice %arg6[%dma_wait3A_1130, %dma_wait3A_1141, %dma_wait3A_1142] : memref<5x128x128xf32, #tpu.memory_space<vmem>> -> memref<1x128x128xf32, #tpu.memory_space<vmem>>
      %dma_wait3A_1144 = tpu.memref_squeeze %dma_wait3A_1143 : memref<1x128x128xf32, #tpu.memory_space<vmem>> -> memref<128x128xf32, #tpu.memory_space<vmem>>
      tpu.wait_dma2 semaphore(%arg13 : memref<!tpu.dma_semaphore, #tpu.memory_space<semaphore_mem>>) src(%dma_wait3A_1144 : memref<128x128xf32, #tpu.memory_space<vmem>>) dst(%dma_wait3A_1140 : memref<128x128xf32, #tpu.memory_space<hbm>>)
      %add3A_1145 = arith.constant 2 : i32
      %add3A_1146 = arith.addi %add3A_1125, %add3A_1145 : i32
      %dma_start3A_1147 = arith.constant 1 : i32
      %dma_start3A_1148 = arith.constant 0 : i32
      %dma_start3A_1149 = arith.constant 0 : i32
      %dma_start3A_1150 = tpu.memref_slice %arg6[%dma_start3A_1147, %dma_start3A_1148, %dma_start3A_1149] : memref<5x128x128xf32, #tpu.memory_space<vmem>> -> memref<1x128x128xf32, #tpu.memory_space<vmem>>
      %dma_start3A_1151 = tpu.memref_squeeze %dma_start3A_1150 : memref<1x128x128xf32, #tpu.memory_space<vmem>> -> memref<128x128xf32, #tpu.memory_space<vmem>>
      %dma_start3A_1152 = arith.constant 0 : i32
      %dma_start3A_1153 = arith.constant 0 : i32
      %dma_start3A_1154 = tpu.memref_slice %dma_start3A_1151[%dma_start3A_1152, %dma_start3A_1153] : memref<128x128xf32, #tpu.memory_space<vmem>> -> memref<64x128xf32, #tpu.memory_space<vmem>>
      %dma_start3A_1155 = arith.constant 0 : i32
      %dma_start3A_1156 = tpu.memref_slice %arg5[%add3A_1146, %dma_start3A_1155] : memref<50x128xi32, #tpu.memory_space<vmem>> -> memref<1x128xi32, #tpu.memory_space<vmem>>
      %dma_start3A_1157 = tpu.memref_squeeze %dma_start3A_1156 : memref<1x128xi32, #tpu.memory_space<vmem>> -> memref<128xi32, #tpu.memory_space<vmem>>
      %dma_start3A_1158 = arith.constant 0 : i32
      %dma_start3A_1159 = tpu.memref_slice %dma_start3A_1157[%dma_start3A_1158] : memref<128xi32, #tpu.memory_space<vmem>> -> memref<64xi32, #tpu.memory_space<vmem>>
      %dma_start3A_1160 = arith.constant 0 : i32
      %dma_start3A_1161 = arith.constant 0 : i32
      %dma_start3A_1162 = tpu.memref_slice %arg3[%dma_start3A_1160, %dma_start3A_1161] : memref<100000x128xf32, #tpu.memory_space<hbm>> -> memref<100000x128xf32, #tpu.memory_space<hbm>>
      tpu.enqueue_indirect_dma source(%dma_start3A_1162 : memref<100000x128xf32, #tpu.memory_space<hbm>>) target(%dma_start3A_1154 : memref<64x128xf32, #tpu.memory_space<vmem>>) offsets(%dma_start3A_1159 : memref<64xi32, #tpu.memory_space<vmem>>) semaphore(%arg8 : memref<!tpu.dma_semaphore, #tpu.memory_space<semaphore_mem>>)
      %dma_start3A_1163 = arith.constant 1 : i32
      %dma_start3A_1164 = arith.constant 0 : i32
      %dma_start3A_1165 = arith.constant 0 : i32
      %dma_start3A_1166 = tpu.memref_slice %arg6[%dma_start3A_1163, %dma_start3A_1164, %dma_start3A_1165] : memref<5x128x128xf32, #tpu.memory_space<vmem>> -> memref<1x128x128xf32, #tpu.memory_space<vmem>>
      %dma_start3A_1167 = tpu.memref_squeeze %dma_start3A_1166 : memref<1x128x128xf32, #tpu.memory_space<vmem>> -> memref<128x128xf32, #tpu.memory_space<vmem>>
      %dma_start3A_1168 = arith.constant 64 : i32
      %dma_start3A_1169 = arith.constant 0 : i32
      %dma_start3A_1170 = tpu.memref_slice %dma_start3A_1167[%dma_start3A_1168, %dma_start3A_1169] : memref<128x128xf32, #tpu.memory_space<vmem>> -> memref<64x128xf32, #tpu.memory_space<vmem>>
      %dma_start3A_1171 = arith.constant 0 : i32
      %dma_start3A_1172 = tpu.memref_slice %arg5[%add3A_1146, %dma_start3A_1171] : memref<50x128xi32, #tpu.memory_space<vmem>> -> memref<1x128xi32, #tpu.memory_space<vmem>>
      %dma_start3A_1173 = tpu.memref_squeeze %dma_start3A_1172 : memref<1x128xi32, #tpu.memory_space<vmem>> -> memref<128xi32, #tpu.memory_space<vmem>>
      %dma_start3A_1174 = arith.constant 64 : i32
      %dma_start3A_1175 = tpu.memref_slice %dma_start3A_1173[%dma_start3A_1174] : memref<128xi32, #tpu.memory_space<vmem>> -> memref<64xi32, #tpu.memory_space<vmem>>
      %dma_start3A_1176 = arith.constant 0 : i32
      %dma_start3A_1177 = arith.constant 0 : i32
      %dma_start3A_1178 = tpu.memref_slice %arg3[%dma_start3A_1176, %dma_start3A_1177] : memref<100000x128xf32, #tpu.memory_space<hbm>> -> memref<100000x128xf32, #tpu.memory_space<hbm>>
      tpu.enqueue_indirect_dma source(%dma_start3A_1178 : memref<100000x128xf32, #tpu.memory_space<hbm>>) target(%dma_start3A_1170 : memref<64x128xf32, #tpu.memory_space<vmem>>) offsets(%dma_start3A_1175 : memref<64xi32, #tpu.memory_space<vmem>>) semaphore(%arg8 : memref<!tpu.dma_semaphore, #tpu.memory_space<semaphore_mem>>)
      %dma_wait3A_1179 = arith.constant 0 : i32
      %dma_wait3A_1180 = arith.constant 4 : i32
      %dma_wait3A_1181 = arith.constant 0 : i32
      %dma_wait3A_1182 = arith.constant 0 : i32
      %dma_wait3A_1183 = tpu.memref_slice %arg6[%dma_wait3A_1180, %dma_wait3A_1181, %dma_wait3A_1182] : memref<5x128x128xf32, #tpu.memory_space<vmem>> -> memref<1x128x128xf32, #tpu.memory_space<vmem>>
      %dma_wait3A_1184 = tpu.memref_squeeze %dma_wait3A_1183 : memref<1x128x128xf32, #tpu.memory_space<vmem>> -> memref<128x128xf32, #tpu.memory_space<vmem>>
      %dma_wait3A_1185 = arith.constant 0 : i32
      %dma_wait3A_1186 = tpu.memref_slice %arg5[%dma_wait3A_1179, %dma_wait3A_1185] : memref<50x128xi32, #tpu.memory_space<vmem>> -> memref<1x128xi32, #tpu.memory_space<vmem>>
      %dma_wait3A_1187 = tpu.memref_squeeze %dma_wait3A_1186 : memref<1x128xi32, #tpu.memory_space<vmem>> -> memref<128xi32, #tpu.memory_space<vmem>>
      %dma_wait3A_1188 = arith.constant 0 : i32
      %dma_wait3A_1189 = arith.constant 0 : i32
      %dma_wait3A_1190 = tpu.memref_slice %arg3[%dma_wait3A_1188, %dma_wait3A_1189] : memref<100000x128xf32, #tpu.memory_space<hbm>> -> memref<100000x128xf32, #tpu.memory_space<hbm>>
      tpu.wait_indirect_dma semaphore(%arg11 : memref<!tpu.dma_semaphore, #tpu.memory_space<semaphore_mem>>) src(%dma_wait3A_1190 : memref<100000x128xf32, #tpu.memory_space<hbm>>) dst(%dma_wait3A_1184 : memref<128x128xf32, #tpu.memory_space<vmem>>)
      %dma_start3A_1191 = arith.constant 4 : i32
      %dma_start3A_1192 = arith.constant 0 : i32
      %dma_start3A_1193 = arith.constant 0 : i32
      %dma_start3A_1194 = tpu.memref_slice %arg6[%dma_start3A_1191, %dma_start3A_1192, %dma_start3A_1193] : memref<5x128x128xf32, #tpu.memory_space<vmem>> -> memref<1x128x128xf32, #tpu.memory_space<vmem>>
      %dma_start3A_1195 = tpu.memref_squeeze %dma_start3A_1194 : memref<1x128x128xf32, #tpu.memory_space<vmem>> -> memref<128x128xf32, #tpu.memory_space<vmem>>
      %dma_start3A_1196 = arith.constant 0 : i32
      %dma_start3A_1197 = tpu.memref_slice %arg4[%add3A_1125, %mul3A_2, %dma_start3A_1196] : memref<50x4096x128xf32, #tpu.memory_space<hbm>> -> memref<1x128x128xf32, #tpu.memory_space<hbm>>
      %dma_start3A_1198 = tpu.memref_squeeze %dma_start3A_1197 : memref<1x128x128xf32, #tpu.memory_space<hbm>> -> memref<128x128xf32, #tpu.memory_space<hbm>>
      %dma_start3A_1199 = arith.constant 0 : i32
      %dma_start3A_1200 = tpu.memref_slice %arg4[%add3A_1125, %mul3A_2, %dma_start3A_1199] : memref<50x4096x128xf32, #tpu.memory_space<hbm>> -> memref<1x128x128xf32, #tpu.memory_space<hbm>>
      %dma_start3A_1201 = tpu.memref_squeeze %dma_start3A_1200 : memref<1x128x128xf32, #tpu.memory_space<hbm>> -> memref<128x128xf32, #tpu.memory_space<hbm>>
      %dma_start3A_1202 = arith.constant 0 : i32
      %dma_start3A_1203 = arith.constant 0 : i32
      %dma_start3A_1204 = tpu.memref_slice %arg6[%dma_start3A_1191, %dma_start3A_1202, %dma_start3A_1203] : memref<5x128x128xf32, #tpu.memory_space<vmem>> -> memref<1x128x128xf32, #tpu.memory_space<vmem>>
      %dma_start3A_1205 = tpu.memref_squeeze %dma_start3A_1204 : memref<1x128x128xf32, #tpu.memory_space<vmem>> -> memref<128x128xf32, #tpu.memory_space<vmem>>
      tpu.enqueue_dma source(%dma_start3A_1205 : memref<128x128xf32, #tpu.memory_space<vmem>>) target(%dma_start3A_1201 : memref<128x128xf32, #tpu.memory_space<hbm>>) target_semaphore(%arg16 : memref<!tpu.dma_semaphore, #tpu.memory_space<semaphore_mem>>)
    }
    %scan3A_415 = arith.constant 8 : i32
    %dma_wait3A_416 = arith.constant 2 : i32
    %dma_wait3A_417 = arith.constant 42 : i32
    %dma_wait3A_418 = arith.constant 0 : i32
    %dma_wait3A_419 = arith.constant 0 : i32
    %dma_wait3A_420 = tpu.memref_slice %arg6[%dma_wait3A_416, %dma_wait3A_418, %dma_wait3A_419] : memref<5x128x128xf32, #tpu.memory_space<vmem>> -> memref<1x128x128xf32, #tpu.memory_space<vmem>>
    %dma_wait3A_421 = tpu.memref_squeeze %dma_wait3A_420 : memref<1x128x128xf32, #tpu.memory_space<vmem>> -> memref<128x128xf32, #tpu.memory_space<vmem>>
    %dma_wait3A_422 = arith.constant 0 : i32
    %dma_wait3A_423 = tpu.memref_slice %arg4[%dma_wait3A_417, %mul3A_2, %dma_wait3A_422] : memref<50x4096x128xf32, #tpu.memory_space<hbm>> -> memref<1x128x128xf32, #tpu.memory_space<hbm>>
    %dma_wait3A_424 = tpu.memref_squeeze %dma_wait3A_423 : memref<1x128x128xf32, #tpu.memory_space<hbm>> -> memref<128x128xf32, #tpu.memory_space<hbm>>
    %dma_wait3A_425 = arith.constant 0 : i32
    %dma_wait3A_426 = tpu.memref_slice %arg4[%dma_wait3A_417, %mul3A_2, %dma_wait3A_425] : memref<50x4096x128xf32, #tpu.memory_space<hbm>> -> memref<1x128x128xf32, #tpu.memory_space<hbm>>
    %dma_wait3A_427 = tpu.memref_squeeze %dma_wait3A_426 : memref<1x128x128xf32, #tpu.memory_space<hbm>> -> memref<128x128xf32, #tpu.memory_space<hbm>>
    %dma_wait3A_428 = arith.constant 0 : i32
    %dma_wait3A_429 = arith.constant 0 : i32
    %dma_wait3A_430 = tpu.memref_slice %arg6[%dma_wait3A_416, %dma_wait3A_428, %dma_wait3A_429] : memref<5x128x128xf32, #tpu.memory_space<vmem>> -> memref<1x128x128xf32, #tpu.memory_space<vmem>>
    %dma_wait3A_431 = tpu.memref_squeeze %dma_wait3A_430 : memref<1x128x128xf32, #tpu.memory_space<vmem>> -> memref<128x128xf32, #tpu.memory_space<vmem>>
    tpu.wait_dma2 semaphore(%arg14 : memref<!tpu.dma_semaphore, #tpu.memory_space<semaphore_mem>>) src(%dma_wait3A_431 : memref<128x128xf32, #tpu.memory_space<vmem>>) dst(%dma_wait3A_427 : memref<128x128xf32, #tpu.memory_space<hbm>>)
    %dma_start3A_432 = arith.constant 47 : i32
    %dma_start3A_433 = arith.constant 2 : i32
    %dma_start3A_434 = arith.constant 0 : i32
    %dma_start3A_435 = arith.constant 0 : i32
    %dma_start3A_436 = tpu.memref_slice %arg6[%dma_start3A_433, %dma_start3A_434, %dma_start3A_435] : memref<5x128x128xf32, #tpu.memory_space<vmem>> -> memref<1x128x128xf32, #tpu.memory_space<vmem>>
    %dma_start3A_437 = tpu.memref_squeeze %dma_start3A_436 : memref<1x128x128xf32, #tpu.memory_space<vmem>> -> memref<128x128xf32, #tpu.memory_space<vmem>>
    %dma_start3A_438 = arith.constant 0 : i32
    %dma_start3A_439 = arith.constant 0 : i32
    %dma_start3A_440 = tpu.memref_slice %dma_start3A_437[%dma_start3A_438, %dma_start3A_439] : memref<128x128xf32, #tpu.memory_space<vmem>> -> memref<64x128xf32, #tpu.memory_space<vmem>>
    %dma_start3A_441 = arith.constant 0 : i32
    %dma_start3A_442 = tpu.memref_slice %arg5[%dma_start3A_432, %dma_start3A_441] : memref<50x128xi32, #tpu.memory_space<vmem>> -> memref<1x128xi32, #tpu.memory_space<vmem>>
    %dma_start3A_443 = tpu.memref_squeeze %dma_start3A_442 : memref<1x128xi32, #tpu.memory_space<vmem>> -> memref<128xi32, #tpu.memory_space<vmem>>
    %dma_start3A_444 = arith.constant 0 : i32
    %dma_start3A_445 = tpu.memref_slice %dma_start3A_443[%dma_start3A_444] : memref<128xi32, #tpu.memory_space<vmem>> -> memref<64xi32, #tpu.memory_space<vmem>>
    %dma_start3A_446 = arith.constant 0 : i32
    %dma_start3A_447 = arith.constant 0 : i32
    %dma_start3A_448 = tpu.memref_slice %arg3[%dma_start3A_446, %dma_start3A_447] : memref<100000x128xf32, #tpu.memory_space<hbm>> -> memref<100000x128xf32, #tpu.memory_space<hbm>>
    tpu.enqueue_indirect_dma source(%dma_start3A_448 : memref<100000x128xf32, #tpu.memory_space<hbm>>) target(%dma_start3A_440 : memref<64x128xf32, #tpu.memory_space<vmem>>) offsets(%dma_start3A_445 : memref<64xi32, #tpu.memory_space<vmem>>) semaphore(%arg9 : memref<!tpu.dma_semaphore, #tpu.memory_space<semaphore_mem>>)
    %dma_start3A_449 = arith.constant 47 : i32
    %dma_start3A_450 = arith.constant 2 : i32
    %dma_start3A_451 = arith.constant 0 : i32
    %dma_start3A_452 = arith.constant 0 : i32
    %dma_start3A_453 = tpu.memref_slice %arg6[%dma_start3A_450, %dma_start3A_451, %dma_start3A_452] : memref<5x128x128xf32, #tpu.memory_space<vmem>> -> memref<1x128x128xf32, #tpu.memory_space<vmem>>
    %dma_start3A_454 = tpu.memref_squeeze %dma_start3A_453 : memref<1x128x128xf32, #tpu.memory_space<vmem>> -> memref<128x128xf32, #tpu.memory_space<vmem>>
    %dma_start3A_455 = arith.constant 64 : i32
    %dma_start3A_456 = arith.constant 0 : i32
    %dma_start3A_457 = tpu.memref_slice %dma_start3A_454[%dma_start3A_455, %dma_start3A_456] : memref<128x128xf32, #tpu.memory_space<vmem>> -> memref<64x128xf32, #tpu.memory_space<vmem>>
    %dma_start3A_458 = arith.constant 0 : i32
    %dma_start3A_459 = tpu.memref_slice %arg5[%dma_start3A_449, %dma_start3A_458] : memref<50x128xi32, #tpu.memory_space<vmem>> -> memref<1x128xi32, #tpu.memory_space<vmem>>
    %dma_start3A_460 = tpu.memref_squeeze %dma_start3A_459 : memref<1x128xi32, #tpu.memory_space<vmem>> -> memref<128xi32, #tpu.memory_space<vmem>>
    %dma_start3A_461 = arith.constant 64 : i32
    %dma_start3A_462 = tpu.memref_slice %dma_start3A_460[%dma_start3A_461] : memref<128xi32, #tpu.memory_space<vmem>> -> memref<64xi32, #tpu.memory_space<vmem>>
    %dma_start3A_463 = arith.constant 0 : i32
    %dma_start3A_464 = arith.constant 0 : i32
    %dma_start3A_465 = tpu.memref_slice %arg3[%dma_start3A_463, %dma_start3A_464] : memref<100000x128xf32, #tpu.memory_space<hbm>> -> memref<100000x128xf32, #tpu.memory_space<hbm>>
    tpu.enqueue_indirect_dma source(%dma_start3A_465 : memref<100000x128xf32, #tpu.memory_space<hbm>>) target(%dma_start3A_457 : memref<64x128xf32, #tpu.memory_space<vmem>>) offsets(%dma_start3A_462 : memref<64xi32, #tpu.memory_space<vmem>>) semaphore(%arg9 : memref<!tpu.dma_semaphore, #tpu.memory_space<semaphore_mem>>)
    %dma_wait3A_466 = arith.constant 0 : i32
    %dma_wait3A_467 = arith.constant 0 : i32
    %dma_wait3A_468 = arith.constant 0 : i32
    %dma_wait3A_469 = arith.constant 0 : i32
    %dma_wait3A_470 = tpu.memref_slice %arg6[%dma_wait3A_467, %dma_wait3A_468, %dma_wait3A_469] : memref<5x128x128xf32, #tpu.memory_space<vmem>> -> memref<1x128x128xf32, #tpu.memory_space<vmem>>
    %dma_wait3A_471 = tpu.memref_squeeze %dma_wait3A_470 : memref<1x128x128xf32, #tpu.memory_space<vmem>> -> memref<128x128xf32, #tpu.memory_space<vmem>>
    %dma_wait3A_472 = arith.constant 0 : i32
    %dma_wait3A_473 = tpu.memref_slice %arg5[%dma_wait3A_466, %dma_wait3A_472] : memref<50x128xi32, #tpu.memory_space<vmem>> -> memref<1x128xi32, #tpu.memory_space<vmem>>
    %dma_wait3A_474 = tpu.memref_squeeze %dma_wait3A_473 : memref<1x128xi32, #tpu.memory_space<vmem>> -> memref<128xi32, #tpu.memory_space<vmem>>
    %dma_wait3A_475 = arith.constant 0 : i32
    %dma_wait3A_476 = arith.constant 0 : i32
    %dma_wait3A_477 = tpu.memref_slice %arg3[%dma_wait3A_475, %dma_wait3A_476] : memref<100000x128xf32, #tpu.memory_space<hbm>> -> memref<100000x128xf32, #tpu.memory_space<hbm>>
    tpu.wait_indirect_dma semaphore(%arg7 : memref<!tpu.dma_semaphore, #tpu.memory_space<semaphore_mem>>) src(%dma_wait3A_477 : memref<100000x128xf32, #tpu.memory_space<hbm>>) dst(%dma_wait3A_471 : memref<128x128xf32, #tpu.memory_space<vmem>>)
    %dma_start3A_478 = arith.constant 0 : i32
    %dma_start3A_479 = arith.constant 45 : i32
    %dma_start3A_480 = arith.constant 0 : i32
    %dma_start3A_481 = arith.constant 0 : i32
    %dma_start3A_482 = tpu.memref_slice %arg6[%dma_start3A_478, %dma_start3A_480, %dma_start3A_481] : memref<5x128x128xf32, #tpu.memory_space<vmem>> -> memref<1x128x128xf32, #tpu.memory_space<vmem>>
    %dma_start3A_483 = tpu.memref_squeeze %dma_start3A_482 : memref<1x128x128xf32, #tpu.memory_space<vmem>> -> memref<128x128xf32, #tpu.memory_space<vmem>>
    %dma_start3A_484 = arith.constant 0 : i32
    %dma_start3A_485 = tpu.memref_slice %arg4[%dma_start3A_479, %mul3A_2, %dma_start3A_484] : memref<50x4096x128xf32, #tpu.memory_space<hbm>> -> memref<1x128x128xf32, #tpu.memory_space<hbm>>
    %dma_start3A_486 = tpu.memref_squeeze %dma_start3A_485 : memref<1x128x128xf32, #tpu.memory_space<hbm>> -> memref<128x128xf32, #tpu.memory_space<hbm>>
    %dma_start3A_487 = arith.constant 0 : i32
    %dma_start3A_488 = tpu.memref_slice %arg4[%dma_start3A_479, %mul3A_2, %dma_start3A_487] : memref<50x4096x128xf32, #tpu.memory_space<hbm>> -> memref<1x128x128xf32, #tpu.memory_space<hbm>>
    %dma_start3A_489 = tpu.memref_squeeze %dma_start3A_488 : memref<1x128x128xf32, #tpu.memory_space<hbm>> -> memref<128x128xf32, #tpu.memory_space<hbm>>
    %dma_start3A_490 = arith.constant 0 : i32
    %dma_start3A_491 = arith.constant 0 : i32
    %dma_start3A_492 = tpu.memref_slice %arg6[%dma_start3A_478, %dma_start3A_490, %dma_start3A_491] : memref<5x128x128xf32, #tpu.memory_space<vmem>> -> memref<1x128x128xf32, #tpu.memory_space<vmem>>
    %dma_start3A_493 = tpu.memref_squeeze %dma_start3A_492 : memref<1x128x128xf32, #tpu.memory_space<vmem>> -> memref<128x128xf32, #tpu.memory_space<vmem>>
    tpu.enqueue_dma source(%dma_start3A_493 : memref<128x128xf32, #tpu.memory_space<vmem>>) target(%dma_start3A_489 : memref<128x128xf32, #tpu.memory_space<hbm>>) target_semaphore(%arg12 : memref<!tpu.dma_semaphore, #tpu.memory_space<semaphore_mem>>)
    %dma_wait3A_494 = arith.constant 3 : i32
    %dma_wait3A_495 = arith.constant 43 : i32
    %dma_wait3A_496 = arith.constant 0 : i32
    %dma_wait3A_497 = arith.constant 0 : i32
    %dma_wait3A_498 = tpu.memref_slice %arg6[%dma_wait3A_494, %dma_wait3A_496, %dma_wait3A_497] : memref<5x128x128xf32, #tpu.memory_space<vmem>> -> memref<1x128x128xf32, #tpu.memory_space<vmem>>
    %dma_wait3A_499 = tpu.memref_squeeze %dma_wait3A_498 : memref<1x128x128xf32, #tpu.memory_space<vmem>> -> memref<128x128xf32, #tpu.memory_space<vmem>>
    %dma_wait3A_500 = arith.constant 0 : i32
    %dma_wait3A_501 = tpu.memref_slice %arg4[%dma_wait3A_495, %mul3A_2, %dma_wait3A_500] : memref<50x4096x128xf32, #tpu.memory_space<hbm>> -> memref<1x128x128xf32, #tpu.memory_space<hbm>>
    %dma_wait3A_502 = tpu.memref_squeeze %dma_wait3A_501 : memref<1x128x128xf32, #tpu.memory_space<hbm>> -> memref<128x128xf32, #tpu.memory_space<hbm>>
    %dma_wait3A_503 = arith.constant 0 : i32
    %dma_wait3A_504 = tpu.memref_slice %arg4[%dma_wait3A_495, %mul3A_2, %dma_wait3A_503] : memref<50x4096x128xf32, #tpu.memory_space<hbm>> -> memref<1x128x128xf32, #tpu.memory_space<hbm>>
    %dma_wait3A_505 = tpu.memref_squeeze %dma_wait3A_504 : memref<1x128x128xf32, #tpu.memory_space<hbm>> -> memref<128x128xf32, #tpu.memory_space<hbm>>
    %dma_wait3A_506 = arith.constant 0 : i32
    %dma_wait3A_507 = arith.constant 0 : i32
    %dma_wait3A_508 = tpu.memref_slice %arg6[%dma_wait3A_494, %dma_wait3A_506, %dma_wait3A_507] : memref<5x128x128xf32, #tpu.memory_space<vmem>> -> memref<1x128x128xf32, #tpu.memory_space<vmem>>
    %dma_wait3A_509 = tpu.memref_squeeze %dma_wait3A_508 : memref<1x128x128xf32, #tpu.memory_space<vmem>> -> memref<128x128xf32, #tpu.memory_space<vmem>>
    tpu.wait_dma2 semaphore(%arg15 : memref<!tpu.dma_semaphore, #tpu.memory_space<semaphore_mem>>) src(%dma_wait3A_509 : memref<128x128xf32, #tpu.memory_space<vmem>>) dst(%dma_wait3A_505 : memref<128x128xf32, #tpu.memory_space<hbm>>)
    %dma_start3A_510 = arith.constant 48 : i32
    %dma_start3A_511 = arith.constant 3 : i32
    %dma_start3A_512 = arith.constant 0 : i32
    %dma_start3A_513 = arith.constant 0 : i32
    %dma_start3A_514 = tpu.memref_slice %arg6[%dma_start3A_511, %dma_start3A_512, %dma_start3A_513] : memref<5x128x128xf32, #tpu.memory_space<vmem>> -> memref<1x128x128xf32, #tpu.memory_space<vmem>>
    %dma_start3A_515 = tpu.memref_squeeze %dma_start3A_514 : memref<1x128x128xf32, #tpu.memory_space<vmem>> -> memref<128x128xf32, #tpu.memory_space<vmem>>
    %dma_start3A_516 = arith.constant 0 : i32
    %dma_start3A_517 = arith.constant 0 : i32
    %dma_start3A_518 = tpu.memref_slice %dma_start3A_515[%dma_start3A_516, %dma_start3A_517] : memref<128x128xf32, #tpu.memory_space<vmem>> -> memref<64x128xf32, #tpu.memory_space<vmem>>
    %dma_start3A_519 = arith.constant 0 : i32
    %dma_start3A_520 = tpu.memref_slice %arg5[%dma_start3A_510, %dma_start3A_519] : memref<50x128xi32, #tpu.memory_space<vmem>> -> memref<1x128xi32, #tpu.memory_space<vmem>>
    %dma_start3A_521 = tpu.memref_squeeze %dma_start3A_520 : memref<1x128xi32, #tpu.memory_space<vmem>> -> memref<128xi32, #tpu.memory_space<vmem>>
    %dma_start3A_522 = arith.constant 0 : i32
    %dma_start3A_523 = tpu.memref_slice %dma_start3A_521[%dma_start3A_522] : memref<128xi32, #tpu.memory_space<vmem>> -> memref<64xi32, #tpu.memory_space<vmem>>
    %dma_start3A_524 = arith.constant 0 : i32
    %dma_start3A_525 = arith.constant 0 : i32
    %dma_start3A_526 = tpu.memref_slice %arg3[%dma_start3A_524, %dma_start3A_525] : memref<100000x128xf32, #tpu.memory_space<hbm>> -> memref<100000x128xf32, #tpu.memory_space<hbm>>
    tpu.enqueue_indirect_dma source(%dma_start3A_526 : memref<100000x128xf32, #tpu.memory_space<hbm>>) target(%dma_start3A_518 : memref<64x128xf32, #tpu.memory_space<vmem>>) offsets(%dma_start3A_523 : memref<64xi32, #tpu.memory_space<vmem>>) semaphore(%arg10 : memref<!tpu.dma_semaphore, #tpu.memory_space<semaphore_mem>>)
    %dma_start3A_527 = arith.constant 48 : i32
    %dma_start3A_528 = arith.constant 3 : i32
    %dma_start3A_529 = arith.constant 0 : i32
    %dma_start3A_530 = arith.constant 0 : i32
    %dma_start3A_531 = tpu.memref_slice %arg6[%dma_start3A_528, %dma_start3A_529, %dma_start3A_530] : memref<5x128x128xf32, #tpu.memory_space<vmem>> -> memref<1x128x128xf32, #tpu.memory_space<vmem>>
    %dma_start3A_532 = tpu.memref_squeeze %dma_start3A_531 : memref<1x128x128xf32, #tpu.memory_space<vmem>> -> memref<128x128xf32, #tpu.memory_space<vmem>>
    %dma_start3A_533 = arith.constant 64 : i32
    %dma_start3A_534 = arith.constant 0 : i32
    %dma_start3A_535 = tpu.memref_slice %dma_start3A_532[%dma_start3A_533, %dma_start3A_534] : memref<128x128xf32, #tpu.memory_space<vmem>> -> memref<64x128xf32, #tpu.memory_space<vmem>>
    %dma_start3A_536 = arith.constant 0 : i32
    %dma_start3A_537 = tpu.memref_slice %arg5[%dma_start3A_527, %dma_start3A_536] : memref<50x128xi32, #tpu.memory_space<vmem>> -> memref<1x128xi32, #tpu.memory_space<vmem>>
    %dma_start3A_538 = tpu.memref_squeeze %dma_start3A_537 : memref<1x128xi32, #tpu.memory_space<vmem>> -> memref<128xi32, #tpu.memory_space<vmem>>
    %dma_start3A_539 = arith.constant 64 : i32
    %dma_start3A_540 = tpu.memref_slice %dma_start3A_538[%dma_start3A_539] : memref<128xi32, #tpu.memory_space<vmem>> -> memref<64xi32, #tpu.memory_space<vmem>>
    %dma_start3A_541 = arith.constant 0 : i32
    %dma_start3A_542 = arith.constant 0 : i32
    %dma_start3A_543 = tpu.memref_slice %arg3[%dma_start3A_541, %dma_start3A_542] : memref<100000x128xf32, #tpu.memory_space<hbm>> -> memref<100000x128xf32, #tpu.memory_space<hbm>>
    tpu.enqueue_indirect_dma source(%dma_start3A_543 : memref<100000x128xf32, #tpu.memory_space<hbm>>) target(%dma_start3A_535 : memref<64x128xf32, #tpu.memory_space<vmem>>) offsets(%dma_start3A_540 : memref<64xi32, #tpu.memory_space<vmem>>) semaphore(%arg10 : memref<!tpu.dma_semaphore, #tpu.memory_space<semaphore_mem>>)
    %dma_wait3A_544 = arith.constant 0 : i32
    %dma_wait3A_545 = arith.constant 1 : i32
    %dma_wait3A_546 = arith.constant 0 : i32
    %dma_wait3A_547 = arith.constant 0 : i32
    %dma_wait3A_548 = tpu.memref_slice %arg6[%dma_wait3A_545, %dma_wait3A_546, %dma_wait3A_547] : memref<5x128x128xf32, #tpu.memory_space<vmem>> -> memref<1x128x128xf32, #tpu.memory_space<vmem>>
    %dma_wait3A_549 = tpu.memref_squeeze %dma_wait3A_548 : memref<1x128x128xf32, #tpu.memory_space<vmem>> -> memref<128x128xf32, #tpu.memory_space<vmem>>
    %dma_wait3A_550 = arith.constant 0 : i32
    %dma_wait3A_551 = tpu.memref_slice %arg5[%dma_wait3A_544, %dma_wait3A_550] : memref<50x128xi32, #tpu.memory_space<vmem>> -> memref<1x128xi32, #tpu.memory_space<vmem>>
    %dma_wait3A_552 = tpu.memref_squeeze %dma_wait3A_551 : memref<1x128xi32, #tpu.memory_space<vmem>> -> memref<128xi32, #tpu.memory_space<vmem>>
    %dma_wait3A_553 = arith.constant 0 : i32
    %dma_wait3A_554 = arith.constant 0 : i32
    %dma_wait3A_555 = tpu.memref_slice %arg3[%dma_wait3A_553, %dma_wait3A_554] : memref<100000x128xf32, #tpu.memory_space<hbm>> -> memref<100000x128xf32, #tpu.memory_space<hbm>>
    tpu.wait_indirect_dma semaphore(%arg8 : memref<!tpu.dma_semaphore, #tpu.memory_space<semaphore_mem>>) src(%dma_wait3A_555 : memref<100000x128xf32, #tpu.memory_space<hbm>>) dst(%dma_wait3A_549 : memref<128x128xf32, #tpu.memory_space<vmem>>)
    %dma_start3A_556 = arith.constant 1 : i32
    %dma_start3A_557 = arith.constant 46 : i32
    %dma_start3A_558 = arith.constant 0 : i32
    %dma_start3A_559 = arith.constant 0 : i32
    %dma_start3A_560 = tpu.memref_slice %arg6[%dma_start3A_556, %dma_start3A_558, %dma_start3A_559] : memref<5x128x128xf32, #tpu.memory_space<vmem>> -> memref<1x128x128xf32, #tpu.memory_space<vmem>>
    %dma_start3A_561 = tpu.memref_squeeze %dma_start3A_560 : memref<1x128x128xf32, #tpu.memory_space<vmem>> -> memref<128x128xf32, #tpu.memory_space<vmem>>
    %dma_start3A_562 = arith.constant 0 : i32
    %dma_start3A_563 = tpu.memref_slice %arg4[%dma_start3A_557, %mul3A_2, %dma_start3A_562] : memref<50x4096x128xf32, #tpu.memory_space<hbm>> -> memref<1x128x128xf32, #tpu.memory_space<hbm>>
    %dma_start3A_564 = tpu.memref_squeeze %dma_start3A_563 : memref<1x128x128xf32, #tpu.memory_space<hbm>> -> memref<128x128xf32, #tpu.memory_space<hbm>>
    %dma_start3A_565 = arith.constant 0 : i32
    %dma_start3A_566 = tpu.memref_slice %arg4[%dma_start3A_557, %mul3A_2, %dma_start3A_565] : memref<50x4096x128xf32, #tpu.memory_space<hbm>> -> memref<1x128x128xf32, #tpu.memory_space<hbm>>
    %dma_start3A_567 = tpu.memref_squeeze %dma_start3A_566 : memref<1x128x128xf32, #tpu.memory_space<hbm>> -> memref<128x128xf32, #tpu.memory_space<hbm>>
    %dma_start3A_568 = arith.constant 0 : i32
    %dma_start3A_569 = arith.constant 0 : i32
    %dma_start3A_570 = tpu.memref_slice %arg6[%dma_start3A_556, %dma_start3A_568, %dma_start3A_569] : memref<5x128x128xf32, #tpu.memory_space<vmem>> -> memref<1x128x128xf32, #tpu.memory_space<vmem>>
    %dma_start3A_571 = tpu.memref_squeeze %dma_start3A_570 : memref<1x128x128xf32, #tpu.memory_space<vmem>> -> memref<128x128xf32, #tpu.memory_space<vmem>>
    tpu.enqueue_dma source(%dma_start3A_571 : memref<128x128xf32, #tpu.memory_space<vmem>>) target(%dma_start3A_567 : memref<128x128xf32, #tpu.memory_space<hbm>>) target_semaphore(%arg13 : memref<!tpu.dma_semaphore, #tpu.memory_space<semaphore_mem>>)
    %dma_wait3A_572 = arith.constant 4 : i32
    %dma_wait3A_573 = arith.constant 44 : i32
    %dma_wait3A_574 = arith.constant 0 : i32
    %dma_wait3A_575 = arith.constant 0 : i32
    %dma_wait3A_576 = tpu.memref_slice %arg6[%dma_wait3A_572, %dma_wait3A_574, %dma_wait3A_575] : memref<5x128x128xf32, #tpu.memory_space<vmem>> -> memref<1x128x128xf32, #tpu.memory_space<vmem>>
    %dma_wait3A_577 = tpu.memref_squeeze %dma_wait3A_576 : memref<1x128x128xf32, #tpu.memory_space<vmem>> -> memref<128x128xf32, #tpu.memory_space<vmem>>
    %dma_wait3A_578 = arith.constant 0 : i32
    %dma_wait3A_579 = tpu.memref_slice %arg4[%dma_wait3A_573, %mul3A_2, %dma_wait3A_578] : memref<50x4096x128xf32, #tpu.memory_space<hbm>> -> memref<1x128x128xf32, #tpu.memory_space<hbm>>
    %dma_wait3A_580 = tpu.memref_squeeze %dma_wait3A_579 : memref<1x128x128xf32, #tpu.memory_space<hbm>> -> memref<128x128xf32, #tpu.memory_space<hbm>>
    %dma_wait3A_581 = arith.constant 0 : i32
    %dma_wait3A_582 = tpu.memref_slice %arg4[%dma_wait3A_573, %mul3A_2, %dma_wait3A_581] : memref<50x4096x128xf32, #tpu.memory_space<hbm>> -> memref<1x128x128xf32, #tpu.memory_space<hbm>>
    %dma_wait3A_583 = tpu.memref_squeeze %dma_wait3A_582 : memref<1x128x128xf32, #tpu.memory_space<hbm>> -> memref<128x128xf32, #tpu.memory_space<hbm>>
    %dma_wait3A_584 = arith.constant 0 : i32
    %dma_wait3A_585 = arith.constant 0 : i32
    %dma_wait3A_586 = tpu.memref_slice %arg6[%dma_wait3A_572, %dma_wait3A_584, %dma_wait3A_585] : memref<5x128x128xf32, #tpu.memory_space<vmem>> -> memref<1x128x128xf32, #tpu.memory_space<vmem>>
    %dma_wait3A_587 = tpu.memref_squeeze %dma_wait3A_586 : memref<1x128x128xf32, #tpu.memory_space<vmem>> -> memref<128x128xf32, #tpu.memory_space<vmem>>
    tpu.wait_dma2 semaphore(%arg16 : memref<!tpu.dma_semaphore, #tpu.memory_space<semaphore_mem>>) src(%dma_wait3A_587 : memref<128x128xf32, #tpu.memory_space<vmem>>) dst(%dma_wait3A_583 : memref<128x128xf32, #tpu.memory_space<hbm>>)
    %dma_start3A_588 = arith.constant 49 : i32
    %dma_start3A_589 = arith.constant 4 : i32
    %dma_start3A_590 = arith.constant 0 : i32
    %dma_start3A_591 = arith.constant 0 : i32
    %dma_start3A_592 = tpu.memref_slice %arg6[%dma_start3A_589, %dma_start3A_590, %dma_start3A_591] : memref<5x128x128xf32, #tpu.memory_space<vmem>> -> memref<1x128x128xf32, #tpu.memory_space<vmem>>
    %dma_start3A_593 = tpu.memref_squeeze %dma_start3A_592 : memref<1x128x128xf32, #tpu.memory_space<vmem>> -> memref<128x128xf32, #tpu.memory_space<vmem>>
    %dma_start3A_594 = arith.constant 0 : i32
    %dma_start3A_595 = arith.constant 0 : i32
    %dma_start3A_596 = tpu.memref_slice %dma_start3A_593[%dma_start3A_594, %dma_start3A_595] : memref<128x128xf32, #tpu.memory_space<vmem>> -> memref<64x128xf32, #tpu.memory_space<vmem>>
    %dma_start3A_597 = arith.constant 0 : i32
    %dma_start3A_598 = tpu.memref_slice %arg5[%dma_start3A_588, %dma_start3A_597] : memref<50x128xi32, #tpu.memory_space<vmem>> -> memref<1x128xi32, #tpu.memory_space<vmem>>
    %dma_start3A_599 = tpu.memref_squeeze %dma_start3A_598 : memref<1x128xi32, #tpu.memory_space<vmem>> -> memref<128xi32, #tpu.memory_space<vmem>>
    %dma_start3A_600 = arith.constant 0 : i32
    %dma_start3A_601 = tpu.memref_slice %dma_start3A_599[%dma_start3A_600] : memref<128xi32, #tpu.memory_space<vmem>> -> memref<64xi32, #tpu.memory_space<vmem>>
    %dma_start3A_602 = arith.constant 0 : i32
    %dma_start3A_603 = arith.constant 0 : i32
    %dma_start3A_604 = tpu.memref_slice %arg3[%dma_start3A_602, %dma_start3A_603] : memref<100000x128xf32, #tpu.memory_space<hbm>> -> memref<100000x128xf32, #tpu.memory_space<hbm>>
    tpu.enqueue_indirect_dma source(%dma_start3A_604 : memref<100000x128xf32, #tpu.memory_space<hbm>>) target(%dma_start3A_596 : memref<64x128xf32, #tpu.memory_space<vmem>>) offsets(%dma_start3A_601 : memref<64xi32, #tpu.memory_space<vmem>>) semaphore(%arg11 : memref<!tpu.dma_semaphore, #tpu.memory_space<semaphore_mem>>)
    %dma_start3A_605 = arith.constant 49 : i32
    %dma_start3A_606 = arith.constant 4 : i32
    %dma_start3A_607 = arith.constant 0 : i32
    %dma_start3A_608 = arith.constant 0 : i32
    %dma_start3A_609 = tpu.memref_slice %arg6[%dma_start3A_606, %dma_start3A_607, %dma_start3A_608] : memref<5x128x128xf32, #tpu.memory_space<vmem>> -> memref<1x128x128xf32, #tpu.memory_space<vmem>>
    %dma_start3A_610 = tpu.memref_squeeze %dma_start3A_609 : memref<1x128x128xf32, #tpu.memory_space<vmem>> -> memref<128x128xf32, #tpu.memory_space<vmem>>
    %dma_start3A_611 = arith.constant 64 : i32
    %dma_start3A_612 = arith.constant 0 : i32
    %dma_start3A_613 = tpu.memref_slice %dma_start3A_610[%dma_start3A_611, %dma_start3A_612] : memref<128x128xf32, #tpu.memory_space<vmem>> -> memref<64x128xf32, #tpu.memory_space<vmem>>
    %dma_start3A_614 = arith.constant 0 : i32
    %dma_start3A_615 = tpu.memref_slice %arg5[%dma_start3A_605, %dma_start3A_614] : memref<50x128xi32, #tpu.memory_space<vmem>> -> memref<1x128xi32, #tpu.memory_space<vmem>>
    %dma_start3A_616 = tpu.memref_squeeze %dma_start3A_615 : memref<1x128xi32, #tpu.memory_space<vmem>> -> memref<128xi32, #tpu.memory_space<vmem>>
    %dma_start3A_617 = arith.constant 64 : i32
    %dma_start3A_618 = tpu.memref_slice %dma_start3A_616[%dma_start3A_617] : memref<128xi32, #tpu.memory_space<vmem>> -> memref<64xi32, #tpu.memory_space<vmem>>
    %dma_start3A_619 = arith.constant 0 : i32
    %dma_start3A_620 = arith.constant 0 : i32
    %dma_start3A_621 = tpu.memref_slice %arg3[%dma_start3A_619, %dma_start3A_620] : memref<100000x128xf32, #tpu.memory_space<hbm>> -> memref<100000x128xf32, #tpu.memory_space<hbm>>
    tpu.enqueue_indirect_dma source(%dma_start3A_621 : memref<100000x128xf32, #tpu.memory_space<hbm>>) target(%dma_start3A_613 : memref<64x128xf32, #tpu.memory_space<vmem>>) offsets(%dma_start3A_618 : memref<64xi32, #tpu.memory_space<vmem>>) semaphore(%arg11 : memref<!tpu.dma_semaphore, #tpu.memory_space<semaphore_mem>>)
    %dma_wait3A_622 = arith.constant 0 : i32
    %dma_wait3A_623 = arith.constant 2 : i32
    %dma_wait3A_624 = arith.constant 0 : i32
    %dma_wait3A_625 = arith.constant 0 : i32
    %dma_wait3A_626 = tpu.memref_slice %arg6[%dma_wait3A_623, %dma_wait3A_624, %dma_wait3A_625] : memref<5x128x128xf32, #tpu.memory_space<vmem>> -> memref<1x128x128xf32, #tpu.memory_space<vmem>>
    %dma_wait3A_627 = tpu.memref_squeeze %dma_wait3A_626 : memref<1x128x128xf32, #tpu.memory_space<vmem>> -> memref<128x128xf32, #tpu.memory_space<vmem>>
    %dma_wait3A_628 = arith.constant 0 : i32
    %dma_wait3A_629 = tpu.memref_slice %arg5[%dma_wait3A_622, %dma_wait3A_628] : memref<50x128xi32, #tpu.memory_space<vmem>> -> memref<1x128xi32, #tpu.memory_space<vmem>>
    %dma_wait3A_630 = tpu.memref_squeeze %dma_wait3A_629 : memref<1x128xi32, #tpu.memory_space<vmem>> -> memref<128xi32, #tpu.memory_space<vmem>>
    %dma_wait3A_631 = arith.constant 0 : i32
    %dma_wait3A_632 = arith.constant 0 : i32
    %dma_wait3A_633 = tpu.memref_slice %arg3[%dma_wait3A_631, %dma_wait3A_632] : memref<100000x128xf32, #tpu.memory_space<hbm>> -> memref<100000x128xf32, #tpu.memory_space<hbm>>
    tpu.wait_indirect_dma semaphore(%arg9 : memref<!tpu.dma_semaphore, #tpu.memory_space<semaphore_mem>>) src(%dma_wait3A_633 : memref<100000x128xf32, #tpu.memory_space<hbm>>) dst(%dma_wait3A_627 : memref<128x128xf32, #tpu.memory_space<vmem>>)
    %dma_start3A_634 = arith.constant 2 : i32
    %dma_start3A_635 = arith.constant 47 : i32
    %dma_start3A_636 = arith.constant 0 : i32
    %dma_start3A_637 = arith.constant 0 : i32
    %dma_start3A_638 = tpu.memref_slice %arg6[%dma_start3A_634, %dma_start3A_636, %dma_start3A_637] : memref<5x128x128xf32, #tpu.memory_space<vmem>> -> memref<1x128x128xf32, #tpu.memory_space<vmem>>
    %dma_start3A_639 = tpu.memref_squeeze %dma_start3A_638 : memref<1x128x128xf32, #tpu.memory_space<vmem>> -> memref<128x128xf32, #tpu.memory_space<vmem>>
    %dma_start3A_640 = arith.constant 0 : i32
    %dma_start3A_641 = tpu.memref_slice %arg4[%dma_start3A_635, %mul3A_2, %dma_start3A_640] : memref<50x4096x128xf32, #tpu.memory_space<hbm>> -> memref<1x128x128xf32, #tpu.memory_space<hbm>>
    %dma_start3A_642 = tpu.memref_squeeze %dma_start3A_641 : memref<1x128x128xf32, #tpu.memory_space<hbm>> -> memref<128x128xf32, #tpu.memory_space<hbm>>
    %dma_start3A_643 = arith.constant 0 : i32
    %dma_start3A_644 = tpu.memref_slice %arg4[%dma_start3A_635, %mul3A_2, %dma_start3A_643] : memref<50x4096x128xf32, #tpu.memory_space<hbm>> -> memref<1x128x128xf32, #tpu.memory_space<hbm>>
    %dma_start3A_645 = tpu.memref_squeeze %dma_start3A_644 : memref<1x128x128xf32, #tpu.memory_space<hbm>> -> memref<128x128xf32, #tpu.memory_space<hbm>>
    %dma_start3A_646 = arith.constant 0 : i32
    %dma_start3A_647 = arith.constant 0 : i32
    %dma_start3A_648 = tpu.memref_slice %arg6[%dma_start3A_634, %dma_start3A_646, %dma_start3A_647] : memref<5x128x128xf32, #tpu.memory_space<vmem>> -> memref<1x128x128xf32, #tpu.memory_space<vmem>>
    %dma_start3A_649 = tpu.memref_squeeze %dma_start3A_648 : memref<1x128x128xf32, #tpu.memory_space<vmem>> -> memref<128x128xf32, #tpu.memory_space<vmem>>
    tpu.enqueue_dma source(%dma_start3A_649 : memref<128x128xf32, #tpu.memory_space<vmem>>) target(%dma_start3A_645 : memref<128x128xf32, #tpu.memory_space<hbm>>) target_semaphore(%arg14 : memref<!tpu.dma_semaphore, #tpu.memory_space<semaphore_mem>>)
    %dma_wait3A_650 = arith.constant 0 : i32
    %dma_wait3A_651 = arith.constant 45 : i32
    %dma_wait3A_652 = arith.constant 0 : i32
    %dma_wait3A_653 = arith.constant 0 : i32
    %dma_wait3A_654 = tpu.memref_slice %arg6[%dma_wait3A_650, %dma_wait3A_652, %dma_wait3A_653] : memref<5x128x128xf32, #tpu.memory_space<vmem>> -> memref<1x128x128xf32, #tpu.memory_space<vmem>>
    %dma_wait3A_655 = tpu.memref_squeeze %dma_wait3A_654 : memref<1x128x128xf32, #tpu.memory_space<vmem>> -> memref<128x128xf32, #tpu.memory_space<vmem>>
    %dma_wait3A_656 = arith.constant 0 : i32
    %dma_wait3A_657 = tpu.memref_slice %arg4[%dma_wait3A_651, %mul3A_2, %dma_wait3A_656] : memref<50x4096x128xf32, #tpu.memory_space<hbm>> -> memref<1x128x128xf32, #tpu.memory_space<hbm>>
    %dma_wait3A_658 = tpu.memref_squeeze %dma_wait3A_657 : memref<1x128x128xf32, #tpu.memory_space<hbm>> -> memref<128x128xf32, #tpu.memory_space<hbm>>
    %dma_wait3A_659 = arith.constant 0 : i32
    %dma_wait3A_660 = tpu.memref_slice %arg4[%dma_wait3A_651, %mul3A_2, %dma_wait3A_659] : memref<50x4096x128xf32, #tpu.memory_space<hbm>> -> memref<1x128x128xf32, #tpu.memory_space<hbm>>
    %dma_wait3A_661 = tpu.memref_squeeze %dma_wait3A_660 : memref<1x128x128xf32, #tpu.memory_space<hbm>> -> memref<128x128xf32, #tpu.memory_space<hbm>>
    %dma_wait3A_662 = arith.constant 0 : i32
    %dma_wait3A_663 = arith.constant 0 : i32
    %dma_wait3A_664 = tpu.memref_slice %arg6[%dma_wait3A_650, %dma_wait3A_662, %dma_wait3A_663] : memref<5x128x128xf32, #tpu.memory_space<vmem>> -> memref<1x128x128xf32, #tpu.memory_space<vmem>>
    %dma_wait3A_665 = tpu.memref_squeeze %dma_wait3A_664 : memref<1x128x128xf32, #tpu.memory_space<vmem>> -> memref<128x128xf32, #tpu.memory_space<vmem>>
    tpu.wait_dma2 semaphore(%arg12 : memref<!tpu.dma_semaphore, #tpu.memory_space<semaphore_mem>>) src(%dma_wait3A_665 : memref<128x128xf32, #tpu.memory_space<vmem>>) dst(%dma_wait3A_661 : memref<128x128xf32, #tpu.memory_space<hbm>>)
    %dma_wait3A_666 = arith.constant 0 : i32
    %dma_wait3A_667 = arith.constant 3 : i32
    %dma_wait3A_668 = arith.constant 0 : i32
    %dma_wait3A_669 = arith.constant 0 : i32
    %dma_wait3A_670 = tpu.memref_slice %arg6[%dma_wait3A_667, %dma_wait3A_668, %dma_wait3A_669] : memref<5x128x128xf32, #tpu.memory_space<vmem>> -> memref<1x128x128xf32, #tpu.memory_space<vmem>>
    %dma_wait3A_671 = tpu.memref_squeeze %dma_wait3A_670 : memref<1x128x128xf32, #tpu.memory_space<vmem>> -> memref<128x128xf32, #tpu.memory_space<vmem>>
    %dma_wait3A_672 = arith.constant 0 : i32
    %dma_wait3A_673 = tpu.memref_slice %arg5[%dma_wait3A_666, %dma_wait3A_672] : memref<50x128xi32, #tpu.memory_space<vmem>> -> memref<1x128xi32, #tpu.memory_space<vmem>>
    %dma_wait3A_674 = tpu.memref_squeeze %dma_wait3A_673 : memref<1x128xi32, #tpu.memory_space<vmem>> -> memref<128xi32, #tpu.memory_space<vmem>>
    %dma_wait3A_675 = arith.constant 0 : i32
    %dma_wait3A_676 = arith.constant 0 : i32
    %dma_wait3A_677 = tpu.memref_slice %arg3[%dma_wait3A_675, %dma_wait3A_676] : memref<100000x128xf32, #tpu.memory_space<hbm>> -> memref<100000x128xf32, #tpu.memory_space<hbm>>
    tpu.wait_indirect_dma semaphore(%arg10 : memref<!tpu.dma_semaphore, #tpu.memory_space<semaphore_mem>>) src(%dma_wait3A_677 : memref<100000x128xf32, #tpu.memory_space<hbm>>) dst(%dma_wait3A_671 : memref<128x128xf32, #tpu.memory_space<vmem>>)
    %dma_start3A_678 = arith.constant 3 : i32
    %dma_start3A_679 = arith.constant 48 : i32
    %dma_start3A_680 = arith.constant 0 : i32
    %dma_start3A_681 = arith.constant 0 : i32
    %dma_start3A_682 = tpu.memref_slice %arg6[%dma_start3A_678, %dma_start3A_680, %dma_start3A_681] : memref<5x128x128xf32, #tpu.memory_space<vmem>> -> memref<1x128x128xf32, #tpu.memory_space<vmem>>
    %dma_start3A_683 = tpu.memref_squeeze %dma_start3A_682 : memref<1x128x128xf32, #tpu.memory_space<vmem>> -> memref<128x128xf32, #tpu.memory_space<vmem>>
    %dma_start3A_684 = arith.constant 0 : i32
    %dma_start3A_685 = tpu.memref_slice %arg4[%dma_start3A_679, %mul3A_2, %dma_start3A_684] : memref<50x4096x128xf32, #tpu.memory_space<hbm>> -> memref<1x128x128xf32, #tpu.memory_space<hbm>>
    %dma_start3A_686 = tpu.memref_squeeze %dma_start3A_685 : memref<1x128x128xf32, #tpu.memory_space<hbm>> -> memref<128x128xf32, #tpu.memory_space<hbm>>
    %dma_start3A_687 = arith.constant 0 : i32
    %dma_start3A_688 = tpu.memref_slice %arg4[%dma_start3A_679, %mul3A_2, %dma_start3A_687] : memref<50x4096x128xf32, #tpu.memory_space<hbm>> -> memref<1x128x128xf32, #tpu.memory_space<hbm>>
    %dma_start3A_689 = tpu.memref_squeeze %dma_start3A_688 : memref<1x128x128xf32, #tpu.memory_space<hbm>> -> memref<128x128xf32, #tpu.memory_space<hbm>>
    %dma_start3A_690 = arith.constant 0 : i32
    %dma_start3A_691 = arith.constant 0 : i32
    %dma_start3A_692 = tpu.memref_slice %arg6[%dma_start3A_678, %dma_start3A_690, %dma_start3A_691] : memref<5x128x128xf32, #tpu.memory_space<vmem>> -> memref<1x128x128xf32, #tpu.memory_space<vmem>>
    %dma_start3A_693 = tpu.memref_squeeze %dma_start3A_692 : memref<1x128x128xf32, #tpu.memory_space<vmem>> -> memref<128x128xf32, #tpu.memory_space<vmem>>
    tpu.enqueue_dma source(%dma_start3A_693 : memref<128x128xf32, #tpu.memory_space<vmem>>) target(%dma_start3A_689 : memref<128x128xf32, #tpu.memory_space<hbm>>) target_semaphore(%arg15 : memref<!tpu.dma_semaphore, #tpu.memory_space<semaphore_mem>>)
    %dma_wait3A_694 = arith.constant 1 : i32
    %dma_wait3A_695 = arith.constant 46 : i32
    %dma_wait3A_696 = arith.constant 0 : i32
    %dma_wait3A_697 = arith.constant 0 : i32
    %dma_wait3A_698 = tpu.memref_slice %arg6[%dma_wait3A_694, %dma_wait3A_696, %dma_wait3A_697] : memref<5x128x128xf32, #tpu.memory_space<vmem>> -> memref<1x128x128xf32, #tpu.memory_space<vmem>>
    %dma_wait3A_699 = tpu.memref_squeeze %dma_wait3A_698 : memref<1x128x128xf32, #tpu.memory_space<vmem>> -> memref<128x128xf32, #tpu.memory_space<vmem>>
    %dma_wait3A_700 = arith.constant 0 : i32
    %dma_wait3A_701 = tpu.memref_slice %arg4[%dma_wait3A_695, %mul3A_2, %dma_wait3A_700] : memref<50x4096x128xf32, #tpu.memory_space<hbm>> -> memref<1x128x128xf32, #tpu.memory_space<hbm>>
    %dma_wait3A_702 = tpu.memref_squeeze %dma_wait3A_701 : memref<1x128x128xf32, #tpu.memory_space<hbm>> -> memref<128x128xf32, #tpu.memory_space<hbm>>
    %dma_wait3A_703 = arith.constant 0 : i32
    %dma_wait3A_704 = tpu.memref_slice %arg4[%dma_wait3A_695, %mul3A_2, %dma_wait3A_703] : memref<50x4096x128xf32, #tpu.memory_space<hbm>> -> memref<1x128x128xf32, #tpu.memory_space<hbm>>
    %dma_wait3A_705 = tpu.memref_squeeze %dma_wait3A_704 : memref<1x128x128xf32, #tpu.memory_space<hbm>> -> memref<128x128xf32, #tpu.memory_space<hbm>>
    %dma_wait3A_706 = arith.constant 0 : i32
    %dma_wait3A_707 = arith.constant 0 : i32
    %dma_wait3A_708 = tpu.memref_slice %arg6[%dma_wait3A_694, %dma_wait3A_706, %dma_wait3A_707] : memref<5x128x128xf32, #tpu.memory_space<vmem>> -> memref<1x128x128xf32, #tpu.memory_space<vmem>>
    %dma_wait3A_709 = tpu.memref_squeeze %dma_wait3A_708 : memref<1x128x128xf32, #tpu.memory_space<vmem>> -> memref<128x128xf32, #tpu.memory_space<vmem>>
    tpu.wait_dma2 semaphore(%arg13 : memref<!tpu.dma_semaphore, #tpu.memory_space<semaphore_mem>>) src(%dma_wait3A_709 : memref<128x128xf32, #tpu.memory_space<vmem>>) dst(%dma_wait3A_705 : memref<128x128xf32, #tpu.memory_space<hbm>>)
    %dma_wait3A_710 = arith.constant 0 : i32
    %dma_wait3A_711 = arith.constant 4 : i32
    %dma_wait3A_712 = arith.constant 0 : i32
    %dma_wait3A_713 = arith.constant 0 : i32
    %dma_wait3A_714 = tpu.memref_slice %arg6[%dma_wait3A_711, %dma_wait3A_712, %dma_wait3A_713] : memref<5x128x128xf32, #tpu.memory_space<vmem>> -> memref<1x128x128xf32, #tpu.memory_space<vmem>>
    %dma_wait3A_715 = tpu.memref_squeeze %dma_wait3A_714 : memref<1x128x128xf32, #tpu.memory_space<vmem>> -> memref<128x128xf32, #tpu.memory_space<vmem>>
    %dma_wait3A_716 = arith.constant 0 : i32
    %dma_wait3A_717 = tpu.memref_slice %arg5[%dma_wait3A_710, %dma_wait3A_716] : memref<50x128xi32, #tpu.memory_space<vmem>> -> memref<1x128xi32, #tpu.memory_space<vmem>>
    %dma_wait3A_718 = tpu.memref_squeeze %dma_wait3A_717 : memref<1x128xi32, #tpu.memory_space<vmem>> -> memref<128xi32, #tpu.memory_space<vmem>>
    %dma_wait3A_719 = arith.constant 0 : i32
    %dma_wait3A_720 = arith.constant 0 : i32
    %dma_wait3A_721 = tpu.memref_slice %arg3[%dma_wait3A_719, %dma_wait3A_720] : memref<100000x128xf32, #tpu.memory_space<hbm>> -> memref<100000x128xf32, #tpu.memory_space<hbm>>
    tpu.wait_indirect_dma semaphore(%arg11 : memref<!tpu.dma_semaphore, #tpu.memory_space<semaphore_mem>>) src(%dma_wait3A_721 : memref<100000x128xf32, #tpu.memory_space<hbm>>) dst(%dma_wait3A_715 : memref<128x128xf32, #tpu.memory_space<vmem>>)
    %dma_start3A_722 = arith.constant 4 : i32
    %dma_start3A_723 = arith.constant 49 : i32
    %dma_start3A_724 = arith.constant 0 : i32
    %dma_start3A_725 = arith.constant 0 : i32
    %dma_start3A_726 = tpu.memref_slice %arg6[%dma_start3A_722, %dma_start3A_724, %dma_start3A_725] : memref<5x128x128xf32, #tpu.memory_space<vmem>> -> memref<1x128x128xf32, #tpu.memory_space<vmem>>
    %dma_start3A_727 = tpu.memref_squeeze %dma_start3A_726 : memref<1x128x128xf32, #tpu.memory_space<vmem>> -> memref<128x128xf32, #tpu.memory_space<vmem>>
    %dma_start3A_728 = arith.constant 0 : i32
    %dma_start3A_729 = tpu.memref_slice %arg4[%dma_start3A_723, %mul3A_2, %dma_start3A_728] : memref<50x4096x128xf32, #tpu.memory_space<hbm>> -> memref<1x128x128xf32, #tpu.memory_space<hbm>>
    %dma_start3A_730 = tpu.memref_squeeze %dma_start3A_729 : memref<1x128x128xf32, #tpu.memory_space<hbm>> -> memref<128x128xf32, #tpu.memory_space<hbm>>
    %dma_start3A_731 = arith.constant 0 : i32
    %dma_start3A_732 = tpu.memref_slice %arg4[%dma_start3A_723, %mul3A_2, %dma_start3A_731] : memref<50x4096x128xf32, #tpu.memory_space<hbm>> -> memref<1x128x128xf32, #tpu.memory_space<hbm>>
    %dma_start3A_733 = tpu.memref_squeeze %dma_start3A_732 : memref<1x128x128xf32, #tpu.memory_space<hbm>> -> memref<128x128xf32, #tpu.memory_space<hbm>>
    %dma_start3A_734 = arith.constant 0 : i32
    %dma_start3A_735 = arith.constant 0 : i32
    %dma_start3A_736 = tpu.memref_slice %arg6[%dma_start3A_722, %dma_start3A_734, %dma_start3A_735] : memref<5x128x128xf32, #tpu.memory_space<vmem>> -> memref<1x128x128xf32, #tpu.memory_space<vmem>>
    %dma_start3A_737 = tpu.memref_squeeze %dma_start3A_736 : memref<1x128x128xf32, #tpu.memory_space<vmem>> -> memref<128x128xf32, #tpu.memory_space<vmem>>
    tpu.enqueue_dma source(%dma_start3A_737 : memref<128x128xf32, #tpu.memory_space<vmem>>) target(%dma_start3A_733 : memref<128x128xf32, #tpu.memory_space<hbm>>) target_semaphore(%arg16 : memref<!tpu.dma_semaphore, #tpu.memory_space<semaphore_mem>>)
    %dma_wait3A_738 = arith.constant 2 : i32
    %dma_wait3A_739 = arith.constant 47 : i32
    %dma_wait3A_740 = arith.constant 0 : i32
    %dma_wait3A_741 = arith.constant 0 : i32
    %dma_wait3A_742 = tpu.memref_slice %arg6[%dma_wait3A_738, %dma_wait3A_740, %dma_wait3A_741] : memref<5x128x128xf32, #tpu.memory_space<vmem>> -> memref<1x128x128xf32, #tpu.memory_space<vmem>>
    %dma_wait3A_743 = tpu.memref_squeeze %dma_wait3A_742 : memref<1x128x128xf32, #tpu.memory_space<vmem>> -> memref<128x128xf32, #tpu.memory_space<vmem>>
    %dma_wait3A_744 = arith.constant 0 : i32
    %dma_wait3A_745 = tpu.memref_slice %arg4[%dma_wait3A_739, %mul3A_2, %dma_wait3A_744] : memref<50x4096x128xf32, #tpu.memory_space<hbm>> -> memref<1x128x128xf32, #tpu.memory_space<hbm>>
    %dma_wait3A_746 = tpu.memref_squeeze %dma_wait3A_745 : memref<1x128x128xf32, #tpu.memory_space<hbm>> -> memref<128x128xf32, #tpu.memory_space<hbm>>
    %dma_wait3A_747 = arith.constant 0 : i32
    %dma_wait3A_748 = tpu.memref_slice %arg4[%dma_wait3A_739, %mul3A_2, %dma_wait3A_747] : memref<50x4096x128xf32, #tpu.memory_space<hbm>> -> memref<1x128x128xf32, #tpu.memory_space<hbm>>
    %dma_wait3A_749 = tpu.memref_squeeze %dma_wait3A_748 : memref<1x128x128xf32, #tpu.memory_space<hbm>> -> memref<128x128xf32, #tpu.memory_space<hbm>>
    %dma_wait3A_750 = arith.constant 0 : i32
    %dma_wait3A_751 = arith.constant 0 : i32
    %dma_wait3A_752 = tpu.memref_slice %arg6[%dma_wait3A_738, %dma_wait3A_750, %dma_wait3A_751] : memref<5x128x128xf32, #tpu.memory_space<vmem>> -> memref<1x128x128xf32, #tpu.memory_space<vmem>>
    %dma_wait3A_753 = tpu.memref_squeeze %dma_wait3A_752 : memref<1x128x128xf32, #tpu.memory_space<vmem>> -> memref<128x128xf32, #tpu.memory_space<vmem>>
    tpu.wait_dma2 semaphore(%arg14 : memref<!tpu.dma_semaphore, #tpu.memory_space<semaphore_mem>>) src(%dma_wait3A_753 : memref<128x128xf32, #tpu.memory_space<vmem>>) dst(%dma_wait3A_749 : memref<128x128xf32, #tpu.memory_space<hbm>>)
    %dma_wait3A_754 = arith.constant 3 : i32
    %dma_wait3A_755 = arith.constant 48 : i32
    %dma_wait3A_756 = arith.constant 0 : i32
    %dma_wait3A_757 = arith.constant 0 : i32
    %dma_wait3A_758 = tpu.memref_slice %arg6[%dma_wait3A_754, %dma_wait3A_756, %dma_wait3A_757] : memref<5x128x128xf32, #tpu.memory_space<vmem>> -> memref<1x128x128xf32, #tpu.memory_space<vmem>>
    %dma_wait3A_759 = tpu.memref_squeeze %dma_wait3A_758 : memref<1x128x128xf32, #tpu.memory_space<vmem>> -> memref<128x128xf32, #tpu.memory_space<vmem>>
    %dma_wait3A_760 = arith.constant 0 : i32
    %dma_wait3A_761 = tpu.memref_slice %arg4[%dma_wait3A_755, %mul3A_2, %dma_wait3A_760] : memref<50x4096x128xf32, #tpu.memory_space<hbm>> -> memref<1x128x128xf32, #tpu.memory_space<hbm>>
    %dma_wait3A_762 = tpu.memref_squeeze %dma_wait3A_761 : memref<1x128x128xf32, #tpu.memory_space<hbm>> -> memref<128x128xf32, #tpu.memory_space<hbm>>
    %dma_wait3A_763 = arith.constant 0 : i32
    %dma_wait3A_764 = tpu.memref_slice %arg4[%dma_wait3A_755, %mul3A_2, %dma_wait3A_763] : memref<50x4096x128xf32, #tpu.memory_space<hbm>> -> memref<1x128x128xf32, #tpu.memory_space<hbm>>
    %dma_wait3A_765 = tpu.memref_squeeze %dma_wait3A_764 : memref<1x128x128xf32, #tpu.memory_space<hbm>> -> memref<128x128xf32, #tpu.memory_space<hbm>>
    %dma_wait3A_766 = arith.constant 0 : i32
    %dma_wait3A_767 = arith.constant 0 : i32
    %dma_wait3A_768 = tpu.memref_slice %arg6[%dma_wait3A_754, %dma_wait3A_766, %dma_wait3A_767] : memref<5x128x128xf32, #tpu.memory_space<vmem>> -> memref<1x128x128xf32, #tpu.memory_space<vmem>>
    %dma_wait3A_769 = tpu.memref_squeeze %dma_wait3A_768 : memref<1x128x128xf32, #tpu.memory_space<vmem>> -> memref<128x128xf32, #tpu.memory_space<vmem>>
    tpu.wait_dma2 semaphore(%arg15 : memref<!tpu.dma_semaphore, #tpu.memory_space<semaphore_mem>>) src(%dma_wait3A_769 : memref<128x128xf32, #tpu.memory_space<vmem>>) dst(%dma_wait3A_765 : memref<128x128xf32, #tpu.memory_space<hbm>>)
    %dma_wait3A_770 = arith.constant 4 : i32
    %dma_wait3A_771 = arith.constant 49 : i32
    %dma_wait3A_772 = arith.constant 0 : i32
    %dma_wait3A_773 = arith.constant 0 : i32
    %dma_wait3A_774 = tpu.memref_slice %arg6[%dma_wait3A_770, %dma_wait3A_772, %dma_wait3A_773] : memref<5x128x128xf32, #tpu.memory_space<vmem>> -> memref<1x128x128xf32, #tpu.memory_space<vmem>>
    %dma_wait3A_775 = tpu.memref_squeeze %dma_wait3A_774 : memref<1x128x128xf32, #tpu.memory_space<vmem>> -> memref<128x128xf32, #tpu.memory_space<vmem>>
    %dma_wait3A_776 = arith.constant 0 : i32
    %dma_wait3A_777 = tpu.memref_slice %arg4[%dma_wait3A_771, %mul3A_2, %dma_wait3A_776] : memref<50x4096x128xf32, #tpu.memory_space<hbm>> -> memref<1x128x128xf32, #tpu.memory_space<hbm>>
    %dma_wait3A_778 = tpu.memref_squeeze %dma_wait3A_777 : memref<1x128x128xf32, #tpu.memory_space<hbm>> -> memref<128x128xf32, #tpu.memory_space<hbm>>
    %dma_wait3A_779 = arith.constant 0 : i32
    %dma_wait3A_780 = tpu.memref_slice %arg4[%dma_wait3A_771, %mul3A_2, %dma_wait3A_779] : memref<50x4096x128xf32, #tpu.memory_space<hbm>> -> memref<1x128x128xf32, #tpu.memory_space<hbm>>
    %dma_wait3A_781 = tpu.memref_squeeze %dma_wait3A_780 : memref<1x128x128xf32, #tpu.memory_space<hbm>> -> memref<128x128xf32, #tpu.memory_space<hbm>>
    %dma_wait3A_782 = arith.constant 0 : i32
    %dma_wait3A_783 = arith.constant 0 : i32
    %dma_wait3A_784 = tpu.memref_slice %arg6[%dma_wait3A_770, %dma_wait3A_782, %dma_wait3A_783] : memref<5x128x128xf32, #tpu.memory_space<vmem>> -> memref<1x128x128xf32, #tpu.memory_space<vmem>>
    %dma_wait3A_785 = tpu.memref_squeeze %dma_wait3A_784 : memref<1x128x128xf32, #tpu.memory_space<vmem>> -> memref<128x128xf32, #tpu.memory_space<vmem>>
    tpu.wait_dma2 semaphore(%arg16 : memref<!tpu.dma_semaphore, #tpu.memory_space<semaphore_mem>>) src(%dma_wait3A_785 : memref<128x128xf32, #tpu.memory_space<vmem>>) dst(%dma_wait3A_781 : memref<128x128xf32, #tpu.memory_space<hbm>>)
    return
  }
}

</mosaic_0001>

<sc_bundles>
// kernel: kernel.3.cloned.1.call-start
scs
__scs_entry_jumppad:
0x0: {  	(pc) =	sbr.rel $0x88, $3  }
0x1: {  	(tag) =	ssettag $0x0;
	lr =	simm.s32 $0x1  }
0x2: {  	[smem:$0x3F9F] =	sst lr;
	_ =	strace $0xD0000000  }
0x3: {  	_ = 	snop  }
0x4: {  	_ = 	snop  }
0x5: {  	_ = 	snop  }
0x6: {  	_ = 	snop  }
0x7: {  	_ = 	snop  }
__scs_overlays_trampoline_lowered:
0x8: {  	[smem:$0x3FAE] =	sst s0  }
0x9: {  	[smem:$0x3FAF] =	sst s1  }
0xa: {  	[smem:$0x3FB0] =	sst s2  }
0xb: {  	[smem:$0x3FB1] =	sst s3  }
0xc: {  	[smem:$0x3FB2] =	sst s4  }
0xd: {  	[smem:$0x3FB3] =	sst s5  }
0xe: {  	[smem:$0x3FB4] =	sst s6  }
0xf: {  	[smem:$0x3FB5] =	sst s7  }
0x10: {  	[smem:$0x3FB6] =	sst s8  }
0x11: {  	[smem:$0x3FB7] =	sst s9;
	s0 =	simm.s32 @!p0 $0x0  }
0x12: {  	s1 =	sld [smem:$0x3F9D];
	s0 =	simm.s32 @p0 $0x1  }
0x13: {  	[smem:$0x3FB8] =	sst s0;
	s0 =	simm.s32 @!p1 $0x0  }
0x14: {  	s2 =	sld [smem:$0x3F9C];
	s0 =	simm.s32 @p1 $0x1  }
0x15: {  	[smem:$0x3FB9] =	sst s0;
	s0 =	simm.s32 @!p2 $0x0  }
0x16: {  	s3 =	sld [smem:$0x3FDB];
	s0 =	simm.s32 @p2 $0x1  }
0x17: {  	s4 =	simm.s32 $0x1BF5;
	[smem:$0x3FBB] =	sst s0  }
0x18: {  	s0 =	sld [smem:$0x3F9E];
	_ =	swait.ge [sflag:s4], $0x0  }
0x19: {  	s7 =	sld [smem:$0x3F9F]  }
0x1a: {  	s8 =	sadd.s32 $0xFFFFE003, lr  }
0x1b: {  	s9 =	sadd.s32 $0xFFFFFEF7, lr;
	s5 =	simm.s32 $0xFFFFFFFF;
	p2 =	slt.u32 s8, $0xFFFFF086  }
0x1c: {  	p1 =	slt.u32 s9, $0xF7A;
	s5 =	simm.s32 @!p2 $0x0  }
0x1d: {  	s5 =	simm.s32 @p1 $0x1;
	p0 =	seq.s32 s7, s2  }
0x1e: {  	s7 =	smul.u32 @!p0 $0xF7A, s2;
	p2 =	seq.s32 @!p0 s5, $0x0  }
0x1f: {  	s9 =	smul.u32 $0xF7A, s1;
	s8 =	simm.s32 @!p0 $0x1BF5;
	p2 =	por !p2, p0  }
0x20: {  	[sflag:s8] =	ssyncset.s32 @!p0 $0xFFFFF086;
	s6 =	sadd.s32 @!p0 s3, s7;
	s7 =	simm.s32 @!p0 $0x108  }
0x21: {  	s3 =	sadd.s32 s3, s9;
	s6 =	sadd.s32 @!p0 $0x88, s6;
	s7 =	simm.s32 @p2 $0x1082  }
0x22: {  	[simem:s7], [sflag:s8] =	dma.local @!p0 [hbm:s6], $0xF7A  }
0x23: {  	s9 =	sor.u32 $0xD0000000, s2;
	s6 =	simm.s32 $0x108;
	_ =	swait.ge @!p0 [sflag:s8], $0x0  }
0x24: {  	s3 =	sadd.s32 $0x88, s3;
	s6 =	simm.s32 @!p1 $0x1082;
	[sflag:s4] =	ssyncset.s32 $0xFFFFF086  }
0x25: {  	[simem:s6], [sflag:s4] =	dma.local [hbm:s3], $0xF7A  }
0x26: {  	[smem:$0x3F9F] =	sst s1;
	(tag) =	ssettag s2;
	_ =	strace s9  }
0x27: {  	s1 =	sld [smem:$0x3FAF]  }
0x28: {  	s2 =	sld [smem:$0x3FB0]  }
0x29: {  	s4 =	sld [smem:$0x3FB2]  }
0x2a: {  	p0 =	seq.s32 s5, $0x0;
	s5 =	sld [smem:$0x3FB3]  }
0x2b: {  	s6 =	sld [smem:$0x3FB4]  }
0x2c: {  	s7 =	sld [smem:$0x3FB5]  }
0x2d: {  	s3 =	simm.s32 $0x108;
	s8 =	sld [smem:$0x3FB6]  }
0x2e: {  	s3 =	simm.s32 @!p0 $0x1082;
	s9 =	sld [smem:$0x3FB7]  }
0x2f: {  	lr =	sadd.s32 s0, s3;
	s0 =	sld [smem:$0x3FAE]  }
0x30: {  	s3 =	sld [smem:$0x3FB1]  }
0x31: {  	[smem:$0x3FBA] =	sst s10  }
0x32: {  	s10 =	sld [smem:$0x3FB8];
	_ =	sdelay $0x3  }
0x33: {  	p0 =	seq.s32 s10, $0x1;
	s10 =	sld [smem:$0x3FBA];
	_ =	sdelay $0x3  }
0x34: {  	[smem:$0x3FBA] =	sst s10  }
0x35: {  	s10 =	sld [smem:$0x3FB9];
	_ =	sdelay $0x3  }
0x36: {  	p1 =	seq.s32 s10, $0x1;
	s10 =	sld [smem:$0x3FBA];
	_ =	sdelay $0x3  }
0x37: {  	[smem:$0x3FBA] =	sst s10  }
0x38: {  	s10 =	sld [smem:$0x3FBB]  }
0x39: {  	_ = 	snop;
	(pc) =	sbr.ind lr, $3  }
0x3a: {  	_ = 	snop  }
0x3b: {  	_ = 	snop  }
0x3c: {  	p2 =	seq.s32 s10, $0x1;
	s10 =	sld [smem:$0x3FBA]  }
0x3d: {  	_ =	shalt  }
0x3e: {  	_ =	shalt  }
0x3f: {  	_ =	shalt  }
0x40: {  	_ =	shalt  }
0x41: {  	_ =	shalt  }
0x42: {  	_ =	shalt  }
0x43: {  	_ =	shalt  }
0x44: {  	_ =	shalt  }
0x45: {  	_ =	shalt  }
0x46: {  	_ =	shalt  }
0x47: {  	_ =	shalt  }
0x48: {  	_ =	shalt  }
0x49: {  	_ =	shalt  }
0x4a: {  	_ =	shalt  }
0x4b: {  	_ =	shalt  }
0x4c: {  	_ =	shalt  }
0x4d: {  	_ =	shalt  }
0x4e: {  	_ =	shalt  }
0x4f: {  	_ =	shalt  }
0x50: {  	_ =	shalt  }
0x51: {  	_ =	shalt  }
0x52: {  	_ =	shalt  }
0x53: {  	_ =	shalt  }
0x54: {  	_ =	shalt  }
0x55: {  	_ =	shalt  }
0x56: {  	_ =	shalt  }
0x57: {  	_ =	shalt  }
0x58: {  	_ =	shalt  }
0x59: {  	_ =	shalt  }
0x5a: {  	_ =	shalt  }
0x5b: {  	_ =	shalt  }
0x5c: {  	_ =	shalt  }
0x5d: {  	_ =	shalt  }
0x5e: {  	_ =	shalt  }
0x5f: {  	_ =	shalt  }
0x60: {  	_ =	shalt  }
0x61: {  	_ =	shalt  }
0x62: {  	_ =	shalt  }
0x63: {  	_ =	shalt  }
0x64: {  	_ =	shalt  }
0x65: {  	_ =	shalt  }
0x66: {  	_ =	shalt  }
0x67: {  	_ =	shalt  }
0x68: {  	_ =	shalt  }
0x69: {  	_ =	shalt  }
0x6a: {  	_ =	shalt  }
0x6b: {  	_ =	shalt  }
0x6c: {  	_ =	shalt  }
0x6d: {  	_ =	shalt  }
0x6e: {  	_ =	shalt  }
0x6f: {  	_ =	shalt  }
0x70: {  	_ =	shalt  }
0x71: {  	_ =	shalt  }
0x72: {  	_ =	shalt  }
0x73: {  	_ =	shalt  }
0x74: {  	_ =	shalt  }
0x75: {  	_ =	shalt  }
0x76: {  	_ =	shalt  }
0x77: {  	_ =	shalt  }
0x78: {  	_ =	shalt  }
0x79: {  	_ =	shalt  }
0x7a: {  	_ =	shalt  }
0x7b: {  	_ =	shalt  }
0x7c: {  	_ =	shalt  }
0x7d: {  	_ =	shalt  }
0x7e: {  	_ =	shalt  }
0x7f: {  	_ =	shalt  }
0x80: {  	_ =	shalt  }
0x81: {  	_ =	shalt  }
0x82: {  	_ =	shalt  }
0x83: {  	_ =	shalt  }
0x84: {  	_ =	shalt  }
0x85: {  	_ =	shalt  }
0x86: {  	_ =	shalt  }
0x87: {  	_ =	shalt  }
.Lfunc_end0:
.L_simem_size_0:
called_computation_lowered:
.L_overlay_start_0:
0x88: {  	s2 =	sld [smem:$0x3FD9]  }
0x89: {  	s3 =	sld [smem:$0x3FFE];
	_ =	sdelay $0x1  }
0x8a: {  	s1 =	srdreg.scid  }
0x8b: {  	s0 =	sand.u32 $0x1, s1  }
0x8c: {  	s18 =	sshll.u32 s0, $0xA;
	s2 =	sadd.s32 s3, s2  }
0x8d: {  	s2 =	sadd.s32 s2, s18  }
0x8e: {  	[smem:$0x3FC6] =	sst s2  }
0x8f: {  	_ = 	snop  }
0x90: {  	s2 =	sld [smem:$0x3FC9]  }
0x91: {  	s19 =	sld [smem:$0x3FC8]  }
0x92: {  	s4 =	sld [smem:$0x3FD0];
	(tm) =	ssettm $0x1  }
0x93: {  	s5 =	sld [smem:$0x3FFB];
	_ =	sdelay $0x3  }
0x94: {  	_ =	strace s5  }
0x95: {  	s5 =	sld [smem:$0x3FFC];
	_ =	sdelay $0x3  }
0x96: {  	_ =	strace s5  }
0x97: {  	s5 =	sld [smem:$0x3FFD];
	_ =	sdelay $0x3  }
0x98: {  	_ =	strace s5  }
0x99: {  	_ =	strace $0x8FFFFFFF  }
0x9a: {  	s20 =	sld [smem:$0x3FDB];
	_ =	sdelay $0x1  }
0x9b: {  	s6 =	simm.s32 $_scs_section_size  }
0x9c: {  	s7 =	simm.s32 $_size__tile_overlayer_lowered;
	s8 =	simm.s32 $_tile_overlayer_lowered  }
0x9d: {  	s23 =	simm.s32 $0x1BFF;
	s22 =	sshll.u32 s8, $0x1;
	s5 =	sadd.s32 s6, s20  }
0x9e: {  	s9 =	simm.s32 $0x0;
	s21 =	sshll.u32 s7, $0x1;
	s7 =	sadd.s32 s22, s5  }
0x9f: {  	[timem:s9], [sflag:s23] =	dma.local [hbm:s7], s21  }
0xa0: {  	_ =	swait.ge [sflag:s23], s21  }
0xa1: {  	s6 =	ssub.s32 $0x0, s21;
	[sflag:s23] =	ssyncset.done $0x0  }
0xa2: {  	[sflag:s23] =	ssyncadd.s32 s6;
	_ =	sdelay $0x1  }
0xa3: {  	s24 =	simm.s32 $0x1B8B  }
0xa4: {  	_ =	swait.ge [sflag:s24], $0x1  }
0xa5: {  	[sflag:s24] =	ssyncset.done $0x0  }
0xa6: {  	s25 =	simm.s32 $0x1B8E;
	[sflag:s24] =	ssyncadd.s32 $0xFFFFFFFF  }
0xa7: {  	s26 =	simm.s32 $execute0_lowered;
	[smem:$0x3FD2] =	sst s25  }
0xa8: {  	s6 =	sshll.u32 s26, $0x1;
	_ =	strace $0x80000046;
	[dreg:$0x1] =	wrdreg $0xFFFFFFFF  }
0xa9: {  	s28 =	simm.s32 $_size_execute0_lowered;
	s5 =	sadd.s32 s5, s6;
	[dreg:$0x0] =	wrdreg $0x0  }
0xaa: {  	s6 =	sshll.u32 s28, $0x1;
	[dreg:$0x2] =	wrdreg s5  }
0xab: {  	[dreg:$0x3] =	wrdreg s6  }
0xac: {  	[dreg:$0x4] =	wrdreg $0xC0  }
0xad: {  	_ =	task [dreg:s9], $0x5FFFF  }
0xae: {  	[dreg:$0x1] =	wrdreg $0xFFFFFFFF  }
0xaf: {  	[dreg:$0x0] =	wrdreg $0x60  }
0xb0: {  	[dreg:$0x2] =	wrdreg s2  }
0xb1: {  	[dreg:$0x3] =	wrdreg s19  }
0xb2: {  	[dreg:$0x4] =	wrdreg s4  }
0xb3: {  	[dreg:$0x5] =	wrdreg $0x9  }
0xb4: {  	_ =	task.clear_ibuf [dreg:s9], $0x6FFFF;
	_ =	strace $0x90000046  }
0xb5: {  	s29 =	simm.s32 $0x9;
	_ =	strace $0x80000048  }
0xb6: {  	_ =	swait.ge [sflag:s29], $0x1  }
0xb7: {  	[sflag:s29] =	ssyncadd.s32 $0xFFFFFFFF  }
0xb8: {  	_ =	strace $0x90000048  }
0xb9: {  	_ =	sfence  }
0xba: {  	s30 =	sld [smem:$0x0];
	_ =	sdelay $0x2  }
0xbb: {  	s31 =	sshll.u32 s1, $0xD;
	s1 =	sshrl.u32 s1, $0x2  }
0xbc: {  	s3 =	sand.u32 $0x4000, s31;
	s1 =	sadd.s32 s1, s30  }
0xbd: {  	s0 =	sor.u32 s3, s0;
	s1 =	sshll.u32 s1, $0x11  }
0xbe: {  	s0 =	sor.u32 s1, s0  }
0xbf: {  	s0 =	sadd.s32 $0x8F2B, s0  }
0xc0: {  	[sflag:s0] =	ssyncadd.remote.s32 $0x1  }
0xc1: {  	_ =	sfence.sel $0xFFFF  }
0xc2: {  	[dreg:$0x0] =	wrdreg $0xFFFFFFFF;
	(pc) =	sbr.abs _section_cstart, $3  }
0xc3: {  	[dreg:$0x1] =	wrdreg $0xFFFFFFFF  }
0xc4: {  	_ =	task.clear_ibuf [dreg:s9], $0x2FFFF;
	_ =	strace $0x9FFFFFFF  }
0xc5: {  	(tm) =	ssettm $0x7FFFFFFF  }
tec
execute0_lowered:
.L_overlay_start_1:
0x0: {  	(tag) =	ssettag $0x1  }
0x1: {  	s0 =	rddreg [dreg:$0x0]  }
0x2: {  	s1 =	rddreg [dreg:$0x1]  }
0x3: {  	s23 =	rddreg [dreg:$0x2];
	s2 =	srdreg.scid  }
0x4: {  	s4 =	simm.s32 $0x0;
	s7 =	stileid.u32;
	s2 =	sand.u32 $0x1, s2  }
0x5: {  	s28 =	simm.s32 $0x40;
	s3 =	sshll.u32 s7, $0x8;
	s5 =	sshll.u32 s2, $0x7  }
0x6: {  	[smem:$0x7FF] =	sst s4;
	s6 =	ssub.s32 $0x2, s2;
	s3 =	sor.u32 s5, s3  }
0x7: {  	_ =	strace $0x80000047;
	s26 =	sshrl.u32 s6, $0x1;
	s8 =	sadd.s32 s0, s3  }
0x8: {  	s9 =	sshll.u32 s3, $0x4;
	[dreg:$0x4] =	wrdreg s8;
	s11 =	sadd.s32 $0x6000, s8  }
0x9: {  	s10 =	ssub.s32 s6, s26;
	s12 =	sadd.s32 s23, s9;
	[dreg:$0x5] =	wrdreg s11  }
0xa: {  	s29 =	simm.s32 $0x1C00;
	s3 =	smax.u32 s10, $0x1;
	[dreg:$0x6] =	wrdreg s12  }
0xb: {  	s30 =	simm.s32 $0x7C00;
	s0 =	sadd.s32 $0x10000, s12;
	[dreg:$0x10] =	wrdreg s3  }
0xc: {  	s31 =	simm.s32 $0x9C00;
	s13 =	sadd.s32 $0x20000, s12;
	[dreg:$0x7] =	wrdreg s0  }
0xd: {  	s16 =	sshll.u32 s7, $0xF;
	s14 =	sadd.s32 $0x30000, s12;
	[dreg:$0x8] =	wrdreg s13  }
0xe: {  	s7 =	simm.s32 $0x0;
	s15 =	sadd.s32 $0x40000, s12;
	[dreg:$0x9] =	wrdreg s14  }
0xf: {  	s2 =	sshll.u32 s2, $0xE;
	s17 =	sadd.s32 $0x2D0000, s12;
	[dreg:$0xa] =	wrdreg s15  }
0x10: {  	s6 =	simm.s32 $0xDC00;
	s18 =	sadd.s32 $0x2E0000, s12;
	[dreg:$0xb] =	wrdreg s17  }
0x11: {  	s9 =	simm.s32 $0x2;
	s19 =	sadd.s32 $0x2F0000, s12;
	[dreg:$0xc] =	wrdreg s18  }
0x12: {  	s10 =	simm.s32 $0x11C00;
	s20 =	sadd.s32 $0x300000, s12;
	[dreg:$0xd] =	wrdreg s19  }
0x13: {  	s8 =	simm.s32 $0x13C00;
	s5 =	sadd.s32 $0x310000, s12;
	[dreg:$0xe] =	wrdreg s20  }
0x14: {  	s12 =	simm.s32 $0x3;
	s0 =	sor.u32 s2, s16;
	[dreg:$0xf] =	wrdreg s5  }
0x15: {  	s20 =	simm.s32 $0x1800;
	s5 =	simm.s32 $0x6;
	s13 =	simm.s32 $0x4  }
0x16: {  	s14 =	simm.s32 $0x7;
	s15 =	simm.s32 $0x5;
	s16 =	simm.s32 $0x8  }
0x17: {  	s17 =	simm.s32 $0x9;
	s21 =	sor.u32 $0x300000, s0;
	s22 =	sor.u32 $0x280000, s0  }
0x18: {  	s24 =	sor.u32 $0x480000, s0;
	s25 =	sor.u32 $0x400000, s0;
	s0 =	sor.u32 $0x380000, s0  }
0x19: {  	s2 =	sshrl.u32 s21, $0x3;
	[dreg:$0x12] =	wrdreg s22;
	s26 =	sshrl.u32 s25, $0x3  }
0x1a: {  	s0 =	sshrl.u32 s0, $0x3;
	s21 =	simm.s32 $0x3C00;
	s2 =	sadd.s32 s2, s23  }
0x1b: {  	s0 =	sadd.s32 s0, s23;
	[dreg:$0x11] =	wrdreg s2;
	s2 =	sshrl.u32 s24, $0x3  }
0x1c: {  	s25 =	simm.s32 $0xA;
	[dreg:$0x15] =	wrdreg s0;
	s2 =	sadd.s32 s2, s23  }
0x1d: {  	s0 =	simm.s32 $0x5C00;
	[dreg:$0x13] =	wrdreg s2;
	s2 =	sadd.s32 s26, s23  }
0x1e: {  	s24 =	simm.s32 $0x3C00;
	[dreg:$0x14] =	wrdreg s2;
	s2 =	simm.s32 $0x1  }
.LBB2_1:
0x1f: {  	[dreg:$0x16] =	wrdreg s7  }
0x20: {  	s3 =	rddreg [dreg:$0x4];
	s18 =	simm.s32 $0x400;
	s19 =	simm.s32 $0x8000  }
0x21: {  	[tilespmem:s4], [sflag:$0xB] =	stream.strided.gather [hbm4b:s3+s18], $0x1800, s19, s18, $0x38;
	[tilespmem:$0x15C00] =	vst v63  }
0x22: {  	s22 =	rddreg [dreg:$0x5];
	s26 =	simm.s32 $0xB  }
0x23: {  	[tilespmem:s20], [sflag:$0xB] =	stream.linear.gather [hbm4b:s22+s4], $0x100, $0x38;
	[tilespmem:$0x15C00] =	vst v63  }
0x24: {  	_ =	swait.ge [sflag:s26], $0x1900  }
0x25: {  	[sflag:s26] =	ssyncset.done $0x0  }
0x26: {  	[sflag:s26] =	ssyncadd.s32 $0xFFFFE700  }
0x27: {  	[tilespmem:s29], [sflag:$0x1] =	stream.indirect.gather [hbm4b:s1+s28], $0x80, s4, s28, $0xb8;
	[tilespmem:$0x15C00] =	vst v63  }
0x28: {  	_ = 	snop  }
0x29: {  	[tilespmem:s21], [sflag:$0x1] =	stream.indirect.gather [hbm4b:s1+s28], $0x80, s28, s28, $0xb8;
	[tilespmem:$0x15C00] =	vst v63  }
0x2a: {  	s7 =	simm.s32 $0x80  }
0x2b: {  	[tilespmem:s0], [sflag:$0x2] =	stream.indirect.gather [hbm4b:s1+s28], $0x80, s7, s28, $0xb8;
	[tilespmem:$0x15C00] =	vst v63  }
0x2c: {  	s11 =	simm.s32 $0xC0  }
0x2d: {  	[tilespmem:s30], [sflag:$0x2] =	stream.indirect.gather [hbm4b:s1+s28], $0x80, s11, s28, $0xb8;
	[tilespmem:$0x15C00] =	vst v63  }
0x2e: {  	s18 =	simm.s32 $0x100  }
0x2f: {  	[tilespmem:s31], [sflag:$0x3] =	stream.indirect.gather [hbm4b:s1+s28], $0x80, s18, s28, $0xb8;
	[tilespmem:$0x15C00] =	vst v63  }
0x30: {  	s19 =	simm.s32 $0x140;
	s7 =	simm.s32 $0xBC00  }
0x31: {  	[tilespmem:s7], [sflag:$0x3] =	stream.indirect.gather [hbm4b:s1+s28], $0x80, s19, s28, $0xb8;
	[tilespmem:$0x15C00] =	vst v63  }
0x32: {  	_ =	swait.ge [sflag:s2], $0x4000  }
0x33: {  	[sflag:s2] =	ssyncset.done $0x0  }
0x34: {  	s20 =	rddreg [dreg:$0x6];
	[sflag:s2] =	ssyncadd.s32 $0xFFFFC000  }
0x35: {  	[hbm4b:s20+s4] =	stream.linear.scatter [tilespmem:s29], [sflag:$0x6], $0x4000, $0x38;
	[tilespmem:$0x15C00] =	vst v63  }
0x36: {  	s22 =	simm.s32 $0x180  }
0x37: {  	[tilespmem:s6], [sflag:$0x4] =	stream.indirect.gather [hbm4b:s1+s28], $0x80, s22, s28, $0xb8;
	[tilespmem:$0x15C00] =	vst v63  }
0x38: {  	s26 =	simm.s32 $0x1C0;
	s19 =	simm.s32 $0xFC00  }
0x39: {  	[tilespmem:s19], [sflag:$0x4] =	stream.indirect.gather [hbm4b:s1+s28], $0x80, s26, s28, $0xb8;
	[tilespmem:$0x15C00] =	vst v63  }
0x3a: {  	_ =	swait.ge [sflag:s9], $0x4000  }
0x3b: {  	[sflag:s9] =	ssyncset.done $0x0  }
0x3c: {  	s11 =	rddreg [dreg:$0x7];
	[sflag:s9] =	ssyncadd.s32 $0xFFFFC000  }
0x3d: {  	[hbm4b:s11+s4] =	stream.linear.scatter [tilespmem:s0], [sflag:$0x7], $0x4000, $0x38;
	[tilespmem:$0x15C00] =	vst v63  }
0x3e: {  	s18 =	simm.s32 $0x200  }
0x3f: {  	[tilespmem:s10], [sflag:$0x5] =	stream.indirect.gather [hbm4b:s1+s28], $0x80, s18, s28, $0xb8;
	[tilespmem:$0x15C00] =	vst v63  }
0x40: {  	s20 =	simm.s32 $0x240;
	s11 =	simm.s32 $0x13C00  }
0x41: {  	[tilespmem:s11], [sflag:$0x5] =	stream.indirect.gather [hbm4b:s1+s28], $0x80, s20, s28, $0xb8;
	[tilespmem:$0x15C00] =	vst v63  }
0x42: {  	_ =	swait.ge [sflag:s12], $0x4000  }
0x43: {  	[sflag:s12] =	ssyncset.done $0x0  }
0x44: {  	s22 =	rddreg [dreg:$0x8];
	[sflag:s12] =	ssyncadd.s32 $0xFFFFC000  }
0x45: {  	[hbm4b:s22+s4] =	stream.linear.scatter [tilespmem:s31], [sflag:$0x8], $0x4000, $0x38;
	[tilespmem:$0x15C00] =	vst v63  }
0x46: {  	_ =	swait.ge [sflag:s5], $0x4000  }
0x47: {  	[sflag:s5] =	ssyncset.done $0x0  }
0x48: {  	s26 =	simm.s32 $0x280;
	[sflag:s5] =	ssyncadd.s32 $0xFFFFC000  }
0x49: {  	[tilespmem:s29], [sflag:$0x1] =	stream.indirect.gather [hbm4b:s1+s28], $0x80, s26, s28, $0xb8;
	[tilespmem:$0x15C00] =	vst v63  }
0x4a: {  	s18 =	simm.s32 $0x2C0  }
0x4b: {  	[tilespmem:s21], [sflag:$0x1] =	stream.indirect.gather [hbm4b:s1+s28], $0x80, s18, s28, $0xb8;
	[tilespmem:$0x15C00] =	vst v63  }
0x4c: {  	_ =	swait.ge [sflag:s13], $0x4000  }
0x4d: {  	[sflag:s13] =	ssyncset.done $0x0  }
0x4e: {  	s20 =	rddreg [dreg:$0x9];
	[sflag:s13] =	ssyncadd.s32 $0xFFFFC000  }
0x4f: {  	[hbm4b:s20+s4] =	stream.linear.scatter [tilespmem:s6], [sflag:$0x9], $0x4000, $0x38;
	[tilespmem:$0x15C00] =	vst v63  }
0x50: {  	_ =	swait.ge [sflag:s14], $0x4000  }
0x51: {  	[sflag:s14] =	ssyncset.done $0x0  }
0x52: {  	s22 =	simm.s32 $0x300;
	[sflag:s14] =	ssyncadd.s32 $0xFFFFC000  }
0x53: {  	[tilespmem:s0], [sflag:$0x2] =	stream.indirect.gather [hbm4b:s1+s28], $0x80, s22, s28, $0xb8;
	[tilespmem:$0x15C00] =	vst v63  }
0x54: {  	s26 =	simm.s32 $0x340  }
0x55: {  	[tilespmem:s30], [sflag:$0x2] =	stream.indirect.gather [hbm4b:s1+s28], $0x80, s26, s28, $0xb8;
	[tilespmem:$0x15C00] =	vst v63  }
0x56: {  	_ =	swait.ge [sflag:s15], $0x4000  }
0x57: {  	[sflag:s15] =	ssyncset.done $0x0  }
0x58: {  	s18 =	rddreg [dreg:$0xa];
	[sflag:s15] =	ssyncadd.s32 $0xFFFFC000  }
0x59: {  	[hbm4b:s18+s4] =	stream.linear.scatter [tilespmem:s10], [sflag:$0xA], $0x4000, $0x38;
	[tilespmem:$0x15C00] =	vst v63  }
0x5a: {  	_ =	swait.ge [sflag:s16], $0x4000  }
0x5b: {  	[sflag:s16] =	ssyncset.done $0x0  }
0x5c: {  	s20 =	simm.s32 $0x380;
	[sflag:s16] =	ssyncadd.s32 $0xFFFFC000  }
0x5d: {  	[tilespmem:s31], [sflag:$0x3] =	stream.indirect.gather [hbm4b:s1+s28], $0x80, s20, s28, $0xb8;
	[tilespmem:$0x15C00] =	vst v63  }
0x5e: {  	s22 =	simm.s32 $0x3C0  }
0x5f: {  	[tilespmem:s7], [sflag:$0x3] =	stream.indirect.gather [hbm4b:s1+s28], $0x80, s22, s28, $0xb8;
	[tilespmem:$0x15C00] =	vst v63  }
0x60: {  	_ =	swait.ge [sflag:s2], $0x4000  }
0x61: {  	s22 =	rddreg [dreg:$0x12]  }
0x62: {  	[sflag:s2] =	ssyncset.done $0x0;
	s26 =	sshrl.u32 s22, $0x3  }
0x63: {  	[sflag:s2] =	ssyncadd.s32 $0xFFFFC000;
	s3 =	sadd.s32 s23, s26  }
0x64: {  	[hbm4b:s3+s4] =	stream.linear.scatter [tilespmem:s29], [sflag:$0x6], $0x4000, $0x38;
	[tilespmem:$0x15C00] =	vst v63  }
0x65: {  	_ =	swait.ge [sflag:s17], $0x4000  }
0x66: {  	[sflag:s17] =	ssyncset.done $0x0  }
0x67: {  	s7 =	simm.s32 $0x400;
	[sflag:s17] =	ssyncadd.s32 $0xFFFFC000  }
0x68: {  	[tilespmem:s6], [sflag:$0x4] =	stream.indirect.gather [hbm4b:s1+s28], $0x80, s7, s28, $0xb8;
	[tilespmem:$0x15C00] =	vst v63  }
0x69: {  	s18 =	simm.s32 $0x440  }
0x6a: {  	[tilespmem:s19], [sflag:$0x4] =	stream.indirect.gather [hbm4b:s1+s28], $0x80, s18, s28, $0xb8;
	[tilespmem:$0x15C00] =	vst v63  }
0x6b: {  	_ =	swait.ge [sflag:s9], $0x4000  }
0x6c: {  	[sflag:s9] =	ssyncset.done $0x0  }
0x6d: {  	s7 =	rddreg [dreg:$0x11];
	[sflag:s9] =	ssyncadd.s32 $0xFFFFC000  }
0x6e: {  	[hbm4b:s7+s4] =	stream.linear.scatter [tilespmem:s0], [sflag:$0x7], $0x4000, $0x38;
	[tilespmem:$0x15C00] =	vst v63  }
0x6f: {  	_ =	swait.ge [sflag:s25], $0x4000  }
0x70: {  	[sflag:s25] =	ssyncset.done $0x0  }
0x71: {  	s20 =	simm.s32 $0x480;
	[sflag:s25] =	ssyncadd.s32 $0xFFFFC000  }
0x72: {  	[tilespmem:s10], [sflag:$0x5] =	stream.indirect.gather [hbm4b:s1+s28], $0x80, s20, s28, $0xb8;
	[tilespmem:$0x15C00] =	vst v63  }
0x73: {  	s26 =	simm.s32 $0x4C0  }
0x74: {  	[tilespmem:s11], [sflag:$0x5] =	stream.indirect.gather [hbm4b:s1+s28], $0x80, s26, s28, $0xb8;
	[tilespmem:$0x15C00] =	vst v63  }
0x75: {  	_ =	swait.ge [sflag:s12], $0x4000  }
0x76: {  	[sflag:s12] =	ssyncset.done $0x0  }
0x77: {  	s18 =	rddreg [dreg:$0x15];
	[sflag:s12] =	ssyncadd.s32 $0xFFFFC000  }
0x78: {  	[hbm4b:s18+s4] =	stream.linear.scatter [tilespmem:s31], [sflag:$0x8], $0x4000, $0x38;
	[tilespmem:$0x15C00] =	vst v63  }
0x79: {  	_ =	swait.ge [sflag:s5], $0x4000  }
0x7a: {  	[sflag:s5] =	ssyncset.done $0x0  }
0x7b: {  	s20 =	simm.s32 $0x500;
	[sflag:s5] =	ssyncadd.s32 $0xFFFFC000  }
0x7c: {  	[tilespmem:s29], [sflag:$0x1] =	stream.indirect.gather [hbm4b:s1+s28], $0x80, s20, s28, $0xb8;
	[tilespmem:$0x15C00] =	vst v63  }
0x7d: {  	s26 =	simm.s32 $0x540  }
0x7e: {  	[tilespmem:s21], [sflag:$0x1] =	stream.indirect.gather [hbm4b:s1+s28], $0x80, s26, s28, $0xb8;
	[tilespmem:$0x15C00] =	vst v63  }
0x7f: {  	_ =	swait.ge [sflag:s13], $0x4000  }
0x80: {  	[sflag:s13] =	ssyncset.done $0x0  }
0x81: {  	s11 =	rddreg [dreg:$0x14];
	[sflag:s13] =	ssyncadd.s32 $0xFFFFC000  }
0x82: {  	[hbm4b:s11+s4] =	stream.linear.scatter [tilespmem:s6], [sflag:$0x9], $0x4000, $0x38;
	[tilespmem:$0x15C00] =	vst v63  }
0x83: {  	_ =	swait.ge [sflag:s14], $0x4000  }
0x84: {  	[sflag:s14] =	ssyncset.done $0x0  }
0x85: {  	s21 =	simm.s32 $0x580;
	[sflag:s14] =	ssyncadd.s32 $0xFFFFC000  }
0x86: {  	[tilespmem:s0], [sflag:$0x2] =	stream.indirect.gather [hbm4b:s1+s28], $0x80, s21, s28, $0xb8;
	[tilespmem:$0x15C00] =	vst v63  }
0x87: {  	s22 =	sadd.s32 $0x280000, s22;
	s18 =	sadd.s32 $0x50000, s18;
	s26 =	simm.s32 $0x5C0  }
0x88: {  	[tilespmem:s30], [sflag:$0x2] =	stream.indirect.gather [hbm4b:s1+s28], $0x80, s26, s28, $0xb8;
	[tilespmem:$0x15C00] =	vst v63  }
0x89: {  	s20 =	sadd.s32 $0x50000, s7;
	s21 =	sadd.s32 $0x50000, s11;
	_ =	swait.ge [sflag:s15], $0x4000  }
0x8a: {  	s26 =	simm.s32 $0xA00;
	[sflag:s15] =	ssyncset.done $0x0;
	s30 =	rddreg [dreg:$0x13]  }
0x8b: {  	s19 =	sadd.s32 $0x50000, s30;
	[sflag:s15] =	ssyncadd.s32 $0xFFFFC000;
	s7 =	smov.u32 s30  }
.LBB2_2:
0x8c: {  	[hbm4b:s7+s4] =	stream.linear.scatter [tilespmem:s10], [sflag:$0xA], $0x4000, $0x38;
	[tilespmem:$0x15C00] =	vst v63  }
0x8d: {  	s3 =	smov.u32 s26;
	s7 =	smov.u32 s19  }
0x8e: {  	p0 =	sne.s32 s26, $0x4600;
	s26 =	sadd.s32 $0xA00, s26;
	_ =	swait.ge [sflag:s16], $0x4000  }
0x8f: {  	s3 =	sshra.s32 s3, $0x2;
	[sflag:s16] =	ssyncset.done $0x0  }
0x90: {  	s30 =	sadd.s32 $0x380, s3;
	[sflag:s16] =	ssyncadd.s32 $0xFFFFC000  }
0x91: {  	[tilespmem:s31], [sflag:$0x3] =	stream.indirect.gather [hbm4b:s1+s28], $0x80, s30, s28, $0xb8;
	[tilespmem:$0x15C00] =	vst v63  }
0x92: {  	s11 =	simm.s32 $0xBC00;
	s30 =	sadd.s32 $0x3C0, s3  }
0x93: {  	[tilespmem:s11], [sflag:$0x3] =	stream.indirect.gather [hbm4b:s1+s28], $0x80, s30, s28, $0xb8;
	[tilespmem:$0x15C00] =	vst v63  }
0x94: {  	_ =	swait.ge [sflag:s2], $0x4000  }
0x95: {  	s30 =	sshrl.u32 s22, $0x3;
	[sflag:s2] =	ssyncset.done $0x0  }
0x96: {  	s30 =	sadd.s32 s23, s30;
	[sflag:s2] =	ssyncadd.s32 $0xFFFFC000  }
0x97: {  	[hbm4b:s30+s4] =	stream.linear.scatter [tilespmem:s29], [sflag:$0x6], $0x4000, $0x38;
	[tilespmem:$0x15C00] =	vst v63  }
0x98: {  	_ =	swait.ge [sflag:s17], $0x4000  }
0x99: {  	[sflag:s17] =	ssyncset.done $0x0  }
0x9a: {  	s30 =	sadd.s32 $0x400, s3;
	[sflag:s17] =	ssyncadd.s32 $0xFFFFC000  }
0x9b: {  	[tilespmem:s6], [sflag:$0x4] =	stream.indirect.gather [hbm4b:s1+s28], $0x80, s30, s28, $0xb8;
	[tilespmem:$0x15C00] =	vst v63  }
0x9c: {  	s11 =	simm.s32 $0xFC00;
	s30 =	sadd.s32 $0x440, s3  }
0x9d: {  	[tilespmem:s11], [sflag:$0x4] =	stream.indirect.gather [hbm4b:s1+s28], $0x80, s30, s28, $0xb8;
	[tilespmem:$0x15C00] =	vst v63  }
0x9e: {  	_ =	swait.ge [sflag:s9], $0x4000  }
0x9f: {  	[sflag:s9] =	ssyncset.done $0x0  }
0xa0: {  	[sflag:s9] =	ssyncadd.s32 $0xFFFFC000  }
0xa1: {  	[hbm4b:s20+s4] =	stream.linear.scatter [tilespmem:s0], [sflag:$0x7], $0x4000, $0x38;
	[tilespmem:$0x15C00] =	vst v63  }
0xa2: {  	_ =	swait.ge [sflag:s25], $0x4000  }
0xa3: {  	[sflag:s25] =	ssyncset.done $0x0  }
0xa4: {  	s30 =	sadd.s32 $0x480, s3;
	[sflag:s25] =	ssyncadd.s32 $0xFFFFC000  }
0xa5: {  	[tilespmem:s10], [sflag:$0x5] =	stream.indirect.gather [hbm4b:s1+s28], $0x80, s30, s28, $0xb8;
	[tilespmem:$0x15C00] =	vst v63  }
0xa6: {  	s30 =	sadd.s32 $0x4C0, s3  }
0xa7: {  	[tilespmem:s8], [sflag:$0x5] =	stream.indirect.gather [hbm4b:s1+s28], $0x80, s30, s28, $0xb8;
	[tilespmem:$0x15C00] =	vst v63  }
0xa8: {  	_ =	swait.ge [sflag:s12], $0x4000  }
0xa9: {  	[sflag:s12] =	ssyncset.done $0x0  }
0xaa: {  	[sflag:s12] =	ssyncadd.s32 $0xFFFFC000  }
0xab: {  	[hbm4b:s18+s4] =	stream.linear.scatter [tilespmem:s31], [sflag:$0x8], $0x4000, $0x38;
	[tilespmem:$0x15C00] =	vst v63  }
0xac: {  	_ =	swait.ge [sflag:s5], $0x4000  }
0xad: {  	[sflag:s5] =	ssyncset.done $0x0  }
0xae: {  	s30 =	sadd.s32 $0x500, s3;
	[sflag:s5] =	ssyncadd.s32 $0xFFFFC000  }
0xaf: {  	[tilespmem:s29], [sflag:$0x1] =	stream.indirect.gather [hbm4b:s1+s28], $0x80, s30, s28, $0xb8;
	[tilespmem:$0x15C00] =	vst v63  }
0xb0: {  	s30 =	sadd.s32 $0x540, s3  }
0xb1: {  	[tilespmem:s24], [sflag:$0x1] =	stream.indirect.gather [hbm4b:s1+s28], $0x80, s30, s28, $0xb8;
	[tilespmem:$0x15C00] =	vst v63  }
0xb2: {  	_ =	swait.ge [sflag:s13], $0x4000  }
0xb3: {  	[sflag:s13] =	ssyncset.done $0x0  }
0xb4: {  	[sflag:s13] =	ssyncadd.s32 $0xFFFFC000  }
0xb5: {  	[hbm4b:s21+s4] =	stream.linear.scatter [tilespmem:s6], [sflag:$0x9], $0x4000, $0x38;
	[tilespmem:$0x15C00] =	vst v63  }
0xb6: {  	_ =	swait.ge [sflag:s14], $0x4000  }
0xb7: {  	[sflag:s14] =	ssyncset.done $0x0  }
0xb8: {  	s30 =	sadd.s32 $0x580, s3;
	[sflag:s14] =	ssyncadd.s32 $0xFFFFC000  }
0xb9: {  	[tilespmem:s0], [sflag:$0x2] =	stream.indirect.gather [hbm4b:s1+s28], $0x80, s30, s28, $0xb8;
	[tilespmem:$0x15C00] =	vst v63  }
0xba: {  	s30 =	simm.s32 $0x7C00  }
.Ltmp0:
0xbb: {  	s3 =	sadd.s32 $0x5C0, s3;
	(pc) =	sbr.rel @p0 .LBB2_2-.Ltmp0, $4  }
0xbc: {  	[tilespmem:s30], [sflag:$0x2] =	stream.indirect.gather [hbm4b:s1+s28], $0x80, s3, s28, $0xb8;
	[tilespmem:$0x15C00] =	vst v63  }
0xbd: {  	s18 =	sadd.s32 $0x50000, s18;
	_ =	swait.ge [sflag:s15], $0x4000  }
0xbe: {  	s19 =	sadd.s32 $0x50000, s19;
	s21 =	sadd.s32 $0x50000, s21;
	[sflag:s15] =	ssyncset.done $0x0  }
0xbf: {  	s22 =	sadd.s32 $0x280000, s22;
	s20 =	sadd.s32 $0x50000, s20;
	[sflag:s15] =	ssyncadd.s32 $0xFFFFC000  }
0xc0: {  	[hbm4b:s7+s4] =	stream.linear.scatter [tilespmem:s10], [sflag:$0xA], $0x4000, $0x38;
	[tilespmem:$0x15C00] =	vst v63  }
0xc1: {  	_ =	swait.ge [sflag:s16], $0x4000  }
0xc2: {  	[sflag:s16] =	ssyncset.done $0x0  }
0xc3: {  	s3 =	simm.s32 $0x1780;
	[sflag:s16] =	ssyncadd.s32 $0xFFFFC000  }
0xc4: {  	[tilespmem:s31], [sflag:$0x3] =	stream.indirect.gather [hbm4b:s1+s28], $0x80, s3, s28, $0xb8;
	[tilespmem:$0x15C00] =	vst v63  }
0xc5: {  	s18 =	simm.s32 $0xBC00;
	s19 =	simm.s32 $0x17C0  }
0xc6: {  	[tilespmem:s18], [sflag:$0x3] =	stream.indirect.gather [hbm4b:s1+s28], $0x80, s19, s28, $0xb8;
	[tilespmem:$0x15C00] =	vst v63  }
0xc7: {  	_ =	swait.ge [sflag:s2], $0x4000  }
0xc8: {  	[sflag:s2] =	ssyncset.done $0x0  }
0xc9: {  	s20 =	rddreg [dreg:$0xb];
	[sflag:s2] =	ssyncadd.s32 $0xFFFFC000  }
0xca: {  	[hbm4b:s20+s4] =	stream.linear.scatter [tilespmem:s29], [sflag:$0x6], $0x4000, $0x38;
	[tilespmem:$0x15C00] =	vst v63  }
0xcb: {  	_ =	swait.ge [sflag:s17], $0x4000  }
0xcc: {  	[sflag:s17] =	ssyncset.done $0x0  }
0xcd: {  	s20 =	simm.s32 $0x1800;
	[sflag:s17] =	ssyncadd.s32 $0xFFFFC000  }
0xce: {  	[tilespmem:s6], [sflag:$0x4] =	stream.indirect.gather [hbm4b:s1+s28], $0x80, s20, s28, $0xb8;
	[tilespmem:$0x15C00] =	vst v63  }
0xcf: {  	s21 =	simm.s32 $0xFC00;
	s22 =	simm.s32 $0x1840  }
0xd0: {  	[tilespmem:s21], [sflag:$0x4] =	stream.indirect.gather [hbm4b:s1+s28], $0x80, s22, s28, $0xb8;
	[tilespmem:$0x15C00] =	vst v63  }
0xd1: {  	_ =	swait.ge [sflag:s9], $0x4000  }
0xd2: {  	[sflag:s9] =	ssyncset.done $0x0  }
0xd3: {  	s26 =	rddreg [dreg:$0xc];
	[sflag:s9] =	ssyncadd.s32 $0xFFFFC000  }
0xd4: {  	[hbm4b:s26+s4] =	stream.linear.scatter [tilespmem:s0], [sflag:$0x7], $0x4000, $0x38;
	[tilespmem:$0x15C00] =	vst v63  }
0xd5: {  	_ =	swait.ge [sflag:s25], $0x4000  }
0xd6: {  	[sflag:s25] =	ssyncset.done $0x0  }
0xd7: {  	s7 =	simm.s32 $0x1880;
	[sflag:s25] =	ssyncadd.s32 $0xFFFFC000  }
0xd8: {  	[tilespmem:s10], [sflag:$0x5] =	stream.indirect.gather [hbm4b:s1+s28], $0x80, s7, s28, $0xb8;
	[tilespmem:$0x15C00] =	vst v63  }
0xd9: {  	s11 =	simm.s32 $0x18C0  }
0xda: {  	[tilespmem:s8], [sflag:$0x5] =	stream.indirect.gather [hbm4b:s1+s28], $0x80, s11, s28, $0xb8;
	[tilespmem:$0x15C00] =	vst v63  }
0xdb: {  	_ =	swait.ge [sflag:s12], $0x4000  }
0xdc: {  	[sflag:s12] =	ssyncset.done $0x0  }
0xdd: {  	s18 =	rddreg [dreg:$0xd];
	[sflag:s12] =	ssyncadd.s32 $0xFFFFC000  }
0xde: {  	[hbm4b:s18+s4] =	stream.linear.scatter [tilespmem:s31], [sflag:$0x8], $0x4000, $0x38;
	[tilespmem:$0x15C00] =	vst v63  }
0xdf: {  	_ =	swait.ge [sflag:s5], $0x4000  }
0xe0: {  	[sflag:s5] =	ssyncset.done $0x0  }
0xe1: {  	[sflag:s5] =	ssyncadd.s32 $0xFFFFC000  }
0xe2: {  	_ =	swait.ge [sflag:s13], $0x4000  }
0xe3: {  	[sflag:s13] =	ssyncset.done $0x0  }
0xe4: {  	s19 =	rddreg [dreg:$0xe];
	[sflag:s13] =	ssyncadd.s32 $0xFFFFC000  }
0xe5: {  	[hbm4b:s19+s4] =	stream.linear.scatter [tilespmem:s6], [sflag:$0x9], $0x4000, $0x38;
	[tilespmem:$0x15C00] =	vst v63  }
0xe6: {  	_ =	swait.ge [sflag:s14], $0x4000  }
0xe7: {  	[sflag:s14] =	ssyncset.done $0x0  }
0xe8: {  	[sflag:s14] =	ssyncadd.s32 $0xFFFFC000  }
0xe9: {  	_ =	swait.ge [sflag:s15], $0x4000  }
0xea: {  	[sflag:s15] =	ssyncset.done $0x0  }
0xeb: {  	s21 =	rddreg [dreg:$0xf];
	[sflag:s15] =	ssyncadd.s32 $0xFFFFC000  }
0xec: {  	[hbm4b:s21+s4] =	stream.linear.scatter [tilespmem:s10], [sflag:$0xA], $0x4000, $0x38;
	[tilespmem:$0x15C00] =	vst v63  }
0xed: {  	_ =	swait.ge [sflag:s16], $0x4000  }
0xee: {  	[sflag:s16] =	ssyncset.done $0x0  }
0xef: {  	[sflag:s16] =	ssyncadd.s32 $0xFFFFC000  }
0xf0: {  	_ =	swait.ge [sflag:s17], $0x4000  }
0xf1: {  	[sflag:s17] =	ssyncset.done $0x0  }
0xf2: {  	[sflag:s17] =	ssyncadd.s32 $0xFFFFC000  }
0xf3: {  	_ =	swait.ge [sflag:s25], $0x4000  }
0xf4: {  	s22 =	rddreg [dreg:$0x16]  }
0xf5: {  	s26 =	rddreg [dreg:$0x10];
	s7 =	sadd.s32 $0x1, s22  }
0xf6: {  	p0 =	sne.s32 s7, s26  }
.Ltmp1:
0xf7: {  	_ = 	snop;
	(pc) =	sbr.rel @p0 .LBB2_1-.Ltmp1, $3  }
0xf8: {  	_ =	sdelay $0x1  }
0xf9: {  	[sflag:s25] =	ssyncset.done $0x0  }
0xfa: {  	s21 =	simm.s32 $0x3C00;
	[sflag:s25] =	ssyncadd.s32 $0xFFFFC000  }
0xfb: {  	_ =	sfence.sel $0x180000  }
0xfc: {  	[bflag:$0x0] =	sbarrier.arrive $0xFFFF  }
0xfd: {  	_ =	strace $0x90000047  }
0xfe: {  	s0 =	stileid.u32;
	[bflag:$0x2] =	sbarrier.arrive $0xFFFF  }
0xff: {  	p0 =	sne.s32 s0, $0x0;
	s0 =	rddreg [dreg:$0x3]  }
0x100: {  	s0 =	sadd.s32 @!p0 $0x100000, s0  }
0x101: {  	[sflag:s0] =	ssyncadd.tile.s32 @!p0 $0x1;
	_ =	shalt  }
.Lfunc_end2:
_tile_overlayer_lowered:
.L_overlay_start_2:
0x102: {  	(tag) =	ssettag $0x2  }
0x103: {  	s0 =	rddreg [dreg:$0x0];
	s2 =	stileid.u32  }
0x104: {  	s1 =	rddreg [dreg:$0x1];
	p0 =	sne.s32 s2, $0x0  }
0x105: {  	s3 =	rddreg [dreg:$0x2];
	[bflag:$0x3] =	sbarrier.arrive $0xFFFF;
	s2 =	simm.s32 @!p0 $0x1C0B  }
0x106: {  	[timem:s3], [sflag:s2] =	dma.local @!p0 [hbm:s0], s1  }
0x107: {  	s0 =	simm.s32 @!p0 $0xB  }
0x108: {  	_ =	swait.ge @!p0 [sflag:s0], s1  }
0x109: {  	s1 =	ssub.s32 @!p0 $0x0, s1;
	[sflag:s0] =	ssyncset.done @!p0 $0x0  }
0x10a: {  	[sflag:s0] =	ssyncadd.s32 @!p0 s1  }
0x10b: {  	[bflag:$0x3] =	sbarrier.arrive $0xFFFF  }
0x10c: {  	_ =	shalt  }

</sc_bundles>
